<compile_context>
chip_gen: v7x
topology: tpu7x:2x2x1
jax: 0.10.2.dev20260603
libtpu: 0.0.44.dev20260713+nightly
codegen_flags: <defaults>
</compile_context>

<pallas_src>
import functools

import jax
import jax.numpy as jnp
from jax import lax
from jax.experimental import pallas as pl
from jax.experimental.pallas import tpu as pltpu
from jax.experimental.pallas import tpu_sc as plsc

_NUM_CORES = 2
_NUM_SUBCORES = 16
_NW = _NUM_CORES * _NUM_SUBCORES
_M = 2
_NB = 8
_L = 2


@functools.lru_cache(maxsize=None)
def _build_gather(V, D, N, K):
  n_per_w = N // _NW
  n_steps = n_per_w // _M
  assert N % _NW == 0 and n_per_w % _M == 0
  assert n_steps % _NB == 0 and n_steps >= _NB + _L
  mesh = plsc.VectorSubcoreMesh(core_axis_name="c", subcore_axis_name="s")

  @functools.partial(
      pl.kernel,
      out_type=jax.ShapeDtypeStruct((N, K, D), jnp.float32),
      mesh=mesh,
      scratch_types=[
          pltpu.VMEM((n_per_w, K), jnp.int32),
          [pltpu.VMEM((_M, K, D), jnp.float32)] * _NB,
          [pltpu.SemaphoreType.DMA] * _NB,
          [pltpu.SemaphoreType.DMA] * _NB,
      ],
  )
  def gather_kernel(table_hbm, idx_hbm, out_hbm, idx_v, slabs, gsems, osems):
    wid = lax.axis_index("s") * _NUM_CORES + lax.axis_index("c")
    obase = wid * n_per_w

    pltpu.sync_copy(idx_hbm.at[pl.ds(obase, n_per_w)], idx_v)

    def fire_gathers(h, p):
      for t in range(_M):
        pltpu.async_copy(
            table_hbm.at[idx_v.at[h * _M + t]], slabs[p].at[t], gsems[p])

    def drain_gathers(p):
      pltpu.make_async_copy(
          out_hbm.at[pl.ds(0, _M)], slabs[p], gsems[p]).wait()

    def out_write(h, p):
      return pltpu.make_async_copy(
          slabs[p], out_hbm.at[pl.ds(obase + h * _M, _M)], osems[p])

    def drain_writes(p):
      pltpu.make_async_copy(
          out_hbm.at[pl.ds(0, _M)], slabs[p], osems[p]).wait()

    for h in range(_L):
      fire_gathers(h, h)

    for h in range(_NB - _L):
      fire_gathers(h + _L, h + _L)
      drain_gathers(h)
      out_write(h, h).start()

    @pl.loop(0, (n_steps - _NB) // _NB)
    def _(ho):
      for hh in range(_NB):
        h = (_NB - _L) + _NB * ho + hh
        p = (_NB - _L + hh) % _NB
        pn = hh
        drain_writes(pn)
        fire_gathers(h + _L, pn)
        drain_gathers(p)
        out_write(h, p).start()

    for h in range(n_steps - _L, n_steps):
      p = h % _NB
      drain_gathers(p)
      out_write(h, p).start()
    for h in range(n_steps - _NB, n_steps):
      drain_writes(h % _NB)

  return gather_kernel


def kernel(inputs, indices, axis):
  del axis
  V, D = inputs.shape
  N, K = indices.shape
  return _build_gather(V, D, N, K)(inputs, indices.astype(jnp.int32))

# --- scband reference (transcript-rebuilt; emitter-appended) ---
"""Pipeline reference for scband-tfgather-16484084483729 (READ-ONLY COPY).

The authoritative reference and input builder live on the scoring server;
editing this copy changes nothing except your own understanding.
"""

import jax, jax.numpy as jnp
import numpy as np


def setup_inputs(seed: int = 0) -> dict:
    key = jax.random.key(seed)
    k1, k2 = jax.random.split(key)
    inputs = jax.random.normal(k1, (100000, 128), dtype=jnp.float32)
    indices = jax.random.randint(k2, (4096, 50), 0, 100000, dtype=jnp.int64)
    axis = 0
    return {"inputs": inputs, "indices": indices, "axis": axis}


def reference(inputs, indices, axis):
    # tf.gather(inputs, indices, axis=axis) -> jnp.take along axis
    return jnp.take(inputs, indices + axis * 0, axis=0)

if __name__ == "__main__":
    import jax
    _d = setup_inputs()
    print(jax.jit(kernel)(*tuple(_d.values())))

</pallas_src>

<mosaic_0001>
#map = affine_map<(d0, d1) -> (0, 0)>
#map1 = affine_map<(d0, d1) -> (0, 0, 0)>
module attributes {stable_mosaic.version = 14 : i64} {
  func.func @gather_kernel(%arg0: i32, %arg1: i32, %arg2: memref<100000x128xf32, #tpu.memory_space<hbm>>, %arg3: memref<4096x50xi32, #tpu.memory_space<hbm>>, %arg4: memref<4096x50x128xf32, #tpu.memory_space<hbm>>, %arg5: memref<128x50xi32, #tpu.memory_space<vmem>>, %arg6: memref<2x50x128xf32, #tpu.memory_space<vmem>>, %arg7: memref<2x50x128xf32, #tpu.memory_space<vmem>>, %arg8: memref<2x50x128xf32, #tpu.memory_space<vmem>>, %arg9: memref<2x50x128xf32, #tpu.memory_space<vmem>>, %arg10: memref<2x50x128xf32, #tpu.memory_space<vmem>>, %arg11: memref<2x50x128xf32, #tpu.memory_space<vmem>>, %arg12: memref<2x50x128xf32, #tpu.memory_space<vmem>>, %arg13: memref<2x50x128xf32, #tpu.memory_space<vmem>>, %arg14: memref<!tpu.dma_semaphore, #tpu.memory_space<semaphore_mem>>, %arg15: memref<!tpu.dma_semaphore, #tpu.memory_space<semaphore_mem>>, %arg16: memref<!tpu.dma_semaphore, #tpu.memory_space<semaphore_mem>>, %arg17: memref<!tpu.dma_semaphore, #tpu.memory_space<semaphore_mem>>, %arg18: memref<!tpu.dma_semaphore, #tpu.memory_space<semaphore_mem>>, %arg19: memref<!tpu.dma_semaphore, #tpu.memory_space<semaphore_mem>>, %arg20: memref<!tpu.dma_semaphore, #tpu.memory_space<semaphore_mem>>, %arg21: memref<!tpu.dma_semaphore, #tpu.memory_space<semaphore_mem>>, %arg22: memref<!tpu.dma_semaphore, #tpu.memory_space<semaphore_mem>>, %arg23: memref<!tpu.dma_semaphore, #tpu.memory_space<semaphore_mem>>, %arg24: memref<!tpu.dma_semaphore, #tpu.memory_space<semaphore_mem>>, %arg25: memref<!tpu.dma_semaphore, #tpu.memory_space<semaphore_mem>>, %arg26: memref<!tpu.dma_semaphore, #tpu.memory_space<semaphore_mem>>, %arg27: memref<!tpu.dma_semaphore, #tpu.memory_space<semaphore_mem>>, %arg28: memref<!tpu.dma_semaphore, #tpu.memory_space<semaphore_mem>>, %arg29: memref<!tpu.dma_semaphore, #tpu.memory_space<semaphore_mem>>) attributes {dimension_semantics = [#tpu.dimension_semantics<core_parallel>, #tpu.dimension_semantics<subcore_parallel>], iteration_bounds = array<i64: 2, 16>, scalar_prefetch = 0 : i64, scratch_operands = 25 : i64, tpu.core_type = #tpu.core_type<sc_vector_subcore>, window_params = [{transform_indices = #map}, {transform_indices = #map}, {transform_indices = #map1}]} {
    %mul3A = arith.constant 2 : i32
    %mul3A_0 = arith.muli %arg1, %mul3A : i32
    %add3A = arith.addi %mul3A_0, %arg0 : i32
    %mul3A_1 = arith.constant 128 : i32
    %mul3A_2 = arith.muli %add3A, %mul3A_1 : i32
    "tpu.region"() ({
      %run_scoped3A = tpu.sem_alloc : memref<!tpu.dma_semaphore, #tpu.memory_space<semaphore_mem>>
      %dma_start3A_389 = arith.constant 0 : i32
      %dma_start3A_390 = tpu.memref_slice %arg3[%mul3A_2, %dma_start3A_389] : memref<4096x50xi32, #tpu.memory_space<hbm>> -> memref<128x50xi32, #tpu.memory_space<hbm>>
      %dma_start3A_391 = arith.constant 0 : i32
      %dma_start3A_392 = tpu.memref_slice %arg3[%mul3A_2, %dma_start3A_391] : memref<4096x50xi32, #tpu.memory_space<hbm>> -> memref<128x50xi32, #tpu.memory_space<hbm>>
      tpu.enqueue_dma source(%dma_start3A_392 : memref<128x50xi32, #tpu.memory_space<hbm>>) target(%arg5 : memref<128x50xi32, #tpu.memory_space<vmem>>) target_semaphore(%run_scoped3A : memref<!tpu.dma_semaphore, #tpu.memory_space<semaphore_mem>>)
      %dma_wait3A_393 = arith.constant 0 : i32
      %dma_wait3A_394 = tpu.memref_slice %arg3[%mul3A_2, %dma_wait3A_393] : memref<4096x50xi32, #tpu.memory_space<hbm>> -> memref<128x50xi32, #tpu.memory_space<hbm>>
      %dma_wait3A_395 = arith.constant 0 : i32
      %dma_wait3A_396 = tpu.memref_slice %arg3[%mul3A_2, %dma_wait3A_395] : memref<4096x50xi32, #tpu.memory_space<hbm>> -> memref<128x50xi32, #tpu.memory_space<hbm>>
      tpu.wait_dma2 semaphore(%run_scoped3A : memref<!tpu.dma_semaphore, #tpu.memory_space<semaphore_mem>>) src(%dma_wait3A_396 : memref<128x50xi32, #tpu.memory_space<hbm>>) dst(%arg5 : memref<128x50xi32, #tpu.memory_space<vmem>>)
      tpu.yield
    }) : () -> ()
    %dma_start3A = arith.constant 0 : i32
    %dma_start3A_3 = arith.constant 0 : i32
    %dma_start3A_4 = arith.constant 0 : i32
    %dma_start3A_5 = arith.constant 0 : i32
    %dma_start3A_6 = tpu.memref_slice %arg6[%dma_start3A_3, %dma_start3A_4, %dma_start3A_5] : memref<2x50x128xf32, #tpu.memory_space<vmem>> -> memref<1x50x128xf32, #tpu.memory_space<vmem>>
    %dma_start3A_7 = tpu.memref_squeeze %dma_start3A_6 : memref<1x50x128xf32, #tpu.memory_space<vmem>> -> memref<50x128xf32, #tpu.memory_space<vmem>>
    %dma_start3A_8 = arith.constant 0 : i32
    %dma_start3A_9 = tpu.memref_slice %arg5[%dma_start3A, %dma_start3A_8] : memref<128x50xi32, #tpu.memory_space<vmem>> -> memref<1x50xi32, #tpu.memory_space<vmem>>
    %dma_start3A_10 = tpu.memref_squeeze %dma_start3A_9 : memref<1x50xi32, #tpu.memory_space<vmem>> -> memref<50xi32, #tpu.memory_space<vmem>>
    %dma_start3A_11 = arith.constant 0 : i32
    %dma_start3A_12 = arith.constant 0 : i32
    %dma_start3A_13 = tpu.memref_slice %arg2[%dma_start3A_11, %dma_start3A_12] : memref<100000x128xf32, #tpu.memory_space<hbm>> -> memref<100000x128xf32, #tpu.memory_space<hbm>>
    tpu.enqueue_indirect_dma source(%dma_start3A_13 : memref<100000x128xf32, #tpu.memory_space<hbm>>) target(%dma_start3A_7 : memref<50x128xf32, #tpu.memory_space<vmem>>) offsets(%dma_start3A_10 : memref<50xi32, #tpu.memory_space<vmem>>) semaphore(%arg14 : memref<!tpu.dma_semaphore, #tpu.memory_space<semaphore_mem>>)
    %dma_start3A_14 = arith.constant 1 : i32
    %dma_start3A_15 = arith.constant 1 : i32
    %dma_start3A_16 = arith.constant 0 : i32
    %dma_start3A_17 = arith.constant 0 : i32
    %dma_start3A_18 = tpu.memref_slice %arg6[%dma_start3A_15, %dma_start3A_16, %dma_start3A_17] : memref<2x50x128xf32, #tpu.memory_space<vmem>> -> memref<1x50x128xf32, #tpu.memory_space<vmem>>
    %dma_start3A_19 = tpu.memref_squeeze %dma_start3A_18 : memref<1x50x128xf32, #tpu.memory_space<vmem>> -> memref<50x128xf32, #tpu.memory_space<vmem>>
    %dma_start3A_20 = arith.constant 0 : i32
    %dma_start3A_21 = tpu.memref_slice %arg5[%dma_start3A_14, %dma_start3A_20] : memref<128x50xi32, #tpu.memory_space<vmem>> -> memref<1x50xi32, #tpu.memory_space<vmem>>
    %dma_start3A_22 = tpu.memref_squeeze %dma_start3A_21 : memref<1x50xi32, #tpu.memory_space<vmem>> -> memref<50xi32, #tpu.memory_space<vmem>>
    %dma_start3A_23 = arith.constant 0 : i32
    %dma_start3A_24 = arith.constant 0 : i32
    %dma_start3A_25 = tpu.memref_slice %arg2[%dma_start3A_23, %dma_start3A_24] : memref<100000x128xf32, #tpu.memory_space<hbm>> -> memref<100000x128xf32, #tpu.memory_space<hbm>>
    tpu.enqueue_indirect_dma source(%dma_start3A_25 : memref<100000x128xf32, #tpu.memory_space<hbm>>) target(%dma_start3A_19 : memref<50x128xf32, #tpu.memory_space<vmem>>) offsets(%dma_start3A_22 : memref<50xi32, #tpu.memory_space<vmem>>) semaphore(%arg14 : memref<!tpu.dma_semaphore, #tpu.memory_space<semaphore_mem>>)
    %dma_start3A_26 = arith.constant 2 : i32
    %dma_start3A_27 = arith.constant 0 : i32
    %dma_start3A_28 = arith.constant 0 : i32
    %dma_start3A_29 = arith.constant 0 : i32
    %dma_start3A_30 = tpu.memref_slice %arg7[%dma_start3A_27, %dma_start3A_28, %dma_start3A_29] : memref<2x50x128xf32, #tpu.memory_space<vmem>> -> memref<1x50x128xf32, #tpu.memory_space<vmem>>
    %dma_start3A_31 = tpu.memref_squeeze %dma_start3A_30 : memref<1x50x128xf32, #tpu.memory_space<vmem>> -> memref<50x128xf32, #tpu.memory_space<vmem>>
    %dma_start3A_32 = arith.constant 0 : i32
    %dma_start3A_33 = tpu.memref_slice %arg5[%dma_start3A_26, %dma_start3A_32] : memref<128x50xi32, #tpu.memory_space<vmem>> -> memref<1x50xi32, #tpu.memory_space<vmem>>
    %dma_start3A_34 = tpu.memref_squeeze %dma_start3A_33 : memref<1x50xi32, #tpu.memory_space<vmem>> -> memref<50xi32, #tpu.memory_space<vmem>>
    %dma_start3A_35 = arith.constant 0 : i32
    %dma_start3A_36 = arith.constant 0 : i32
    %dma_start3A_37 = tpu.memref_slice %arg2[%dma_start3A_35, %dma_start3A_36] : memref<100000x128xf32, #tpu.memory_space<hbm>> -> memref<100000x128xf32, #tpu.memory_space<hbm>>
    tpu.enqueue_indirect_dma source(%dma_start3A_37 : memref<100000x128xf32, #tpu.memory_space<hbm>>) target(%dma_start3A_31 : memref<50x128xf32, #tpu.memory_space<vmem>>) offsets(%dma_start3A_34 : memref<50xi32, #tpu.memory_space<vmem>>) semaphore(%arg15 : memref<!tpu.dma_semaphore, #tpu.memory_space<semaphore_mem>>)
    %dma_start3A_38 = arith.constant 3 : i32
    %dma_start3A_39 = arith.constant 1 : i32
    %dma_start3A_40 = arith.constant 0 : i32
    %dma_start3A_41 = arith.constant 0 : i32
    %dma_start3A_42 = tpu.memref_slice %arg7[%dma_start3A_39, %dma_start3A_40, %dma_start3A_41] : memref<2x50x128xf32, #tpu.memory_space<vmem>> -> memref<1x50x128xf32, #tpu.memory_space<vmem>>
    %dma_start3A_43 = tpu.memref_squeeze %dma_start3A_42 : memref<1x50x128xf32, #tpu.memory_space<vmem>> -> memref<50x128xf32, #tpu.memory_space<vmem>>
    %dma_start3A_44 = arith.constant 0 : i32
    %dma_start3A_45 = tpu.memref_slice %arg5[%dma_start3A_38, %dma_start3A_44] : memref<128x50xi32, #tpu.memory_space<vmem>> -> memref<1x50xi32, #tpu.memory_space<vmem>>
    %dma_start3A_46 = tpu.memref_squeeze %dma_start3A_45 : memref<1x50xi32, #tpu.memory_space<vmem>> -> memref<50xi32, #tpu.memory_space<vmem>>
    %dma_start3A_47 = arith.constant 0 : i32
    %dma_start3A_48 = arith.constant 0 : i32
    %dma_start3A_49 = tpu.memref_slice %arg2[%dma_start3A_47, %dma_start3A_48] : memref<100000x128xf32, #tpu.memory_space<hbm>> -> memref<100000x128xf32, #tpu.memory_space<hbm>>
    tpu.enqueue_indirect_dma source(%dma_start3A_49 : memref<100000x128xf32, #tpu.memory_space<hbm>>) target(%dma_start3A_43 : memref<50x128xf32, #tpu.memory_space<vmem>>) offsets(%dma_start3A_46 : memref<50xi32, #tpu.memory_space<vmem>>) semaphore(%arg15 : memref<!tpu.dma_semaphore, #tpu.memory_space<semaphore_mem>>)
    %dma_start3A_50 = arith.constant 4 : i32
    %dma_start3A_51 = arith.constant 0 : i32
    %dma_start3A_52 = arith.constant 0 : i32
    %dma_start3A_53 = arith.constant 0 : i32
    %dma_start3A_54 = tpu.memref_slice %arg8[%dma_start3A_51, %dma_start3A_52, %dma_start3A_53] : memref<2x50x128xf32, #tpu.memory_space<vmem>> -> memref<1x50x128xf32, #tpu.memory_space<vmem>>
    %dma_start3A_55 = tpu.memref_squeeze %dma_start3A_54 : memref<1x50x128xf32, #tpu.memory_space<vmem>> -> memref<50x128xf32, #tpu.memory_space<vmem>>
    %dma_start3A_56 = arith.constant 0 : i32
    %dma_start3A_57 = tpu.memref_slice %arg5[%dma_start3A_50, %dma_start3A_56] : memref<128x50xi32, #tpu.memory_space<vmem>> -> memref<1x50xi32, #tpu.memory_space<vmem>>
    %dma_start3A_58 = tpu.memref_squeeze %dma_start3A_57 : memref<1x50xi32, #tpu.memory_space<vmem>> -> memref<50xi32, #tpu.memory_space<vmem>>
    %dma_start3A_59 = arith.constant 0 : i32
    %dma_start3A_60 = arith.constant 0 : i32
    %dma_start3A_61 = tpu.memref_slice %arg2[%dma_start3A_59, %dma_start3A_60] : memref<100000x128xf32, #tpu.memory_space<hbm>> -> memref<100000x128xf32, #tpu.memory_space<hbm>>
    tpu.enqueue_indirect_dma source(%dma_start3A_61 : memref<100000x128xf32, #tpu.memory_space<hbm>>) target(%dma_start3A_55 : memref<50x128xf32, #tpu.memory_space<vmem>>) offsets(%dma_start3A_58 : memref<50xi32, #tpu.memory_space<vmem>>) semaphore(%arg16 : memref<!tpu.dma_semaphore, #tpu.memory_space<semaphore_mem>>)
    %dma_start3A_62 = arith.constant 5 : i32
    %dma_start3A_63 = arith.constant 1 : i32
    %dma_start3A_64 = arith.constant 0 : i32
    %dma_start3A_65 = arith.constant 0 : i32
    %dma_start3A_66 = tpu.memref_slice %arg8[%dma_start3A_63, %dma_start3A_64, %dma_start3A_65] : memref<2x50x128xf32, #tpu.memory_space<vmem>> -> memref<1x50x128xf32, #tpu.memory_space<vmem>>
    %dma_start3A_67 = tpu.memref_squeeze %dma_start3A_66 : memref<1x50x128xf32, #tpu.memory_space<vmem>> -> memref<50x128xf32, #tpu.memory_space<vmem>>
    %dma_start3A_68 = arith.constant 0 : i32
    %dma_start3A_69 = tpu.memref_slice %arg5[%dma_start3A_62, %dma_start3A_68] : memref<128x50xi32, #tpu.memory_space<vmem>> -> memref<1x50xi32, #tpu.memory_space<vmem>>
    %dma_start3A_70 = tpu.memref_squeeze %dma_start3A_69 : memref<1x50xi32, #tpu.memory_space<vmem>> -> memref<50xi32, #tpu.memory_space<vmem>>
    %dma_start3A_71 = arith.constant 0 : i32
    %dma_start3A_72 = arith.constant 0 : i32
    %dma_start3A_73 = tpu.memref_slice %arg2[%dma_start3A_71, %dma_start3A_72] : memref<100000x128xf32, #tpu.memory_space<hbm>> -> memref<100000x128xf32, #tpu.memory_space<hbm>>
    tpu.enqueue_indirect_dma source(%dma_start3A_73 : memref<100000x128xf32, #tpu.memory_space<hbm>>) target(%dma_start3A_67 : memref<50x128xf32, #tpu.memory_space<vmem>>) offsets(%dma_start3A_70 : memref<50xi32, #tpu.memory_space<vmem>>) semaphore(%arg16 : memref<!tpu.dma_semaphore, #tpu.memory_space<semaphore_mem>>)
    %dma_wait3A = arith.constant 0 : i32
    %dma_wait3A_74 = arith.constant 0 : i32
    %dma_wait3A_75 = arith.constant 0 : i32
    %dma_wait3A_76 = tpu.memref_slice %arg4[%dma_wait3A, %dma_wait3A_74, %dma_wait3A_75] : memref<4096x50x128xf32, #tpu.memory_space<hbm>> -> memref<2x50x128xf32, #tpu.memory_space<hbm>>
    %dma_wait3A_77 = arith.constant 0 : i32
    %dma_wait3A_78 = arith.constant 0 : i32
    %dma_wait3A_79 = arith.constant 0 : i32
    %dma_wait3A_80 = tpu.memref_slice %arg4[%dma_wait3A_77, %dma_wait3A_78, %dma_wait3A_79] : memref<4096x50x128xf32, #tpu.memory_space<hbm>> -> memref<2x50x128xf32, #tpu.memory_space<hbm>>
    tpu.wait_dma2 semaphore(%arg14 : memref<!tpu.dma_semaphore, #tpu.memory_space<semaphore_mem>>) src(%dma_wait3A_80 : memref<2x50x128xf32, #tpu.memory_space<hbm>>) dst(%arg6 : memref<2x50x128xf32, #tpu.memory_space<vmem>>)
    %add3A_81 = arith.constant 0 : i32
    %add3A_82 = arith.addi %mul3A_2, %add3A_81 : i32
    %dma_start3A_83 = arith.constant 0 : i32
    %dma_start3A_84 = arith.constant 0 : i32
    %dma_start3A_85 = tpu.memref_slice %arg4[%add3A_82, %dma_start3A_83, %dma_start3A_84] : memref<4096x50x128xf32, #tpu.memory_space<hbm>> -> memref<2x50x128xf32, #tpu.memory_space<hbm>>
    %dma_start3A_86 = arith.constant 0 : i32
    %dma_start3A_87 = arith.constant 0 : i32
    %dma_start3A_88 = tpu.memref_slice %arg4[%add3A_82, %dma_start3A_86, %dma_start3A_87] : memref<4096x50x128xf32, #tpu.memory_space<hbm>> -> memref<2x50x128xf32, #tpu.memory_space<hbm>>
    tpu.enqueue_dma source(%arg6 : memref<2x50x128xf32, #tpu.memory_space<vmem>>) target(%dma_start3A_88 : memref<2x50x128xf32, #tpu.memory_space<hbm>>) target_semaphore(%arg22 : memref<!tpu.dma_semaphore, #tpu.memory_space<semaphore_mem>>)
    %dma_start3A_89 = arith.constant 6 : i32
    %dma_start3A_90 = arith.constant 0 : i32
    %dma_start3A_91 = arith.constant 0 : i32
    %dma_start3A_92 = arith.constant 0 : i32
    %dma_start3A_93 = tpu.memref_slice %arg9[%dma_start3A_90, %dma_start3A_91, %dma_start3A_92] : memref<2x50x128xf32, #tpu.memory_space<vmem>> -> memref<1x50x128xf32, #tpu.memory_space<vmem>>
    %dma_start3A_94 = tpu.memref_squeeze %dma_start3A_93 : memref<1x50x128xf32, #tpu.memory_space<vmem>> -> memref<50x128xf32, #tpu.memory_space<vmem>>
    %dma_start3A_95 = arith.constant 0 : i32
    %dma_start3A_96 = tpu.memref_slice %arg5[%dma_start3A_89, %dma_start3A_95] : memref<128x50xi32, #tpu.memory_space<vmem>> -> memref<1x50xi32, #tpu.memory_space<vmem>>
    %dma_start3A_97 = tpu.memref_squeeze %dma_start3A_96 : memref<1x50xi32, #tpu.memory_space<vmem>> -> memref<50xi32, #tpu.memory_space<vmem>>
    %dma_start3A_98 = arith.constant 0 : i32
    %dma_start3A_99 = arith.constant 0 : i32
    %dma_start3A_100 = tpu.memref_slice %arg2[%dma_start3A_98, %dma_start3A_99] : memref<100000x128xf32, #tpu.memory_space<hbm>> -> memref<100000x128xf32, #tpu.memory_space<hbm>>
    tpu.enqueue_indirect_dma source(%dma_start3A_100 : memref<100000x128xf32, #tpu.memory_space<hbm>>) target(%dma_start3A_94 : memref<50x128xf32, #tpu.memory_space<vmem>>) offsets(%dma_start3A_97 : memref<50xi32, #tpu.memory_space<vmem>>) semaphore(%arg17 : memref<!tpu.dma_semaphore, #tpu.memory_space<semaphore_mem>>)
    %dma_start3A_101 = arith.constant 7 : i32
    %dma_start3A_102 = arith.constant 1 : i32
    %dma_start3A_103 = arith.constant 0 : i32
    %dma_start3A_104 = arith.constant 0 : i32
    %dma_start3A_105 = tpu.memref_slice %arg9[%dma_start3A_102, %dma_start3A_103, %dma_start3A_104] : memref<2x50x128xf32, #tpu.memory_space<vmem>> -> memref<1x50x128xf32, #tpu.memory_space<vmem>>
    %dma_start3A_106 = tpu.memref_squeeze %dma_start3A_105 : memref<1x50x128xf32, #tpu.memory_space<vmem>> -> memref<50x128xf32, #tpu.memory_space<vmem>>
    %dma_start3A_107 = arith.constant 0 : i32
    %dma_start3A_108 = tpu.memref_slice %arg5[%dma_start3A_101, %dma_start3A_107] : memref<128x50xi32, #tpu.memory_space<vmem>> -> memref<1x50xi32, #tpu.memory_space<vmem>>
    %dma_start3A_109 = tpu.memref_squeeze %dma_start3A_108 : memref<1x50xi32, #tpu.memory_space<vmem>> -> memref<50xi32, #tpu.memory_space<vmem>>
    %dma_start3A_110 = arith.constant 0 : i32
    %dma_start3A_111 = arith.constant 0 : i32
    %dma_start3A_112 = tpu.memref_slice %arg2[%dma_start3A_110, %dma_start3A_111] : memref<100000x128xf32, #tpu.memory_space<hbm>> -> memref<100000x128xf32, #tpu.memory_space<hbm>>
    tpu.enqueue_indirect_dma source(%dma_start3A_112 : memref<100000x128xf32, #tpu.memory_space<hbm>>) target(%dma_start3A_106 : memref<50x128xf32, #tpu.memory_space<vmem>>) offsets(%dma_start3A_109 : memref<50xi32, #tpu.memory_space<vmem>>) semaphore(%arg17 : memref<!tpu.dma_semaphore, #tpu.memory_space<semaphore_mem>>)
    %dma_wait3A_113 = arith.constant 0 : i32
    %dma_wait3A_114 = arith.constant 0 : i32
    %dma_wait3A_115 = arith.constant 0 : i32
    %dma_wait3A_116 = tpu.memref_slice %arg4[%dma_wait3A_113, %dma_wait3A_114, %dma_wait3A_115] : memref<4096x50x128xf32, #tpu.memory_space<hbm>> -> memref<2x50x128xf32, #tpu.memory_space<hbm>>
    %dma_wait3A_117 = arith.constant 0 : i32
    %dma_wait3A_118 = arith.constant 0 : i32
    %dma_wait3A_119 = arith.constant 0 : i32
    %dma_wait3A_120 = tpu.memref_slice %arg4[%dma_wait3A_117, %dma_wait3A_118, %dma_wait3A_119] : memref<4096x50x128xf32, #tpu.memory_space<hbm>> -> memref<2x50x128xf32, #tpu.memory_space<hbm>>
    tpu.wait_dma2 semaphore(%arg15 : memref<!tpu.dma_semaphore, #tpu.memory_space<semaphore_mem>>) src(%dma_wait3A_120 : memref<2x50x128xf32, #tpu.memory_space<hbm>>) dst(%arg7 : memref<2x50x128xf32, #tpu.memory_space<vmem>>)
    %add3A_121 = arith.constant 2 : i32
    %add3A_122 = arith.addi %mul3A_2, %add3A_121 : i32
    %dma_start3A_123 = arith.constant 0 : i32
    %dma_start3A_124 = arith.constant 0 : i32
    %dma_start3A_125 = tpu.memref_slice %arg4[%add3A_122, %dma_start3A_123, %dma_start3A_124] : memref<4096x50x128xf32, #tpu.memory_space<hbm>> -> memref<2x50x128xf32, #tpu.memory_space<hbm>>
    %dma_start3A_126 = arith.constant 0 : i32
    %dma_start3A_127 = arith.constant 0 : i32
    %dma_start3A_128 = tpu.memref_slice %arg4[%add3A_122, %dma_start3A_126, %dma_start3A_127] : memref<4096x50x128xf32, #tpu.memory_space<hbm>> -> memref<2x50x128xf32, #tpu.memory_space<hbm>>
    tpu.enqueue_dma source(%arg7 : memref<2x50x128xf32, #tpu.memory_space<vmem>>) target(%dma_start3A_128 : memref<2x50x128xf32, #tpu.memory_space<hbm>>) target_semaphore(%arg23 : memref<!tpu.dma_semaphore, #tpu.memory_space<semaphore_mem>>)
    %dma_start3A_129 = arith.constant 8 : i32
    %dma_start3A_130 = arith.constant 0 : i32
    %dma_start3A_131 = arith.constant 0 : i32
    %dma_start3A_132 = arith.constant 0 : i32
    %dma_start3A_133 = tpu.memref_slice %arg10[%dma_start3A_130, %dma_start3A_131, %dma_start3A_132] : memref<2x50x128xf32, #tpu.memory_space<vmem>> -> memref<1x50x128xf32, #tpu.memory_space<vmem>>
    %dma_start3A_134 = tpu.memref_squeeze %dma_start3A_133 : memref<1x50x128xf32, #tpu.memory_space<vmem>> -> memref<50x128xf32, #tpu.memory_space<vmem>>
    %dma_start3A_135 = arith.constant 0 : i32
    %dma_start3A_136 = tpu.memref_slice %arg5[%dma_start3A_129, %dma_start3A_135] : memref<128x50xi32, #tpu.memory_space<vmem>> -> memref<1x50xi32, #tpu.memory_space<vmem>>
    %dma_start3A_137 = tpu.memref_squeeze %dma_start3A_136 : memref<1x50xi32, #tpu.memory_space<vmem>> -> memref<50xi32, #tpu.memory_space<vmem>>
    %dma_start3A_138 = arith.constant 0 : i32
    %dma_start3A_139 = arith.constant 0 : i32
    %dma_start3A_140 = tpu.memref_slice %arg2[%dma_start3A_138, %dma_start3A_139] : memref<100000x128xf32, #tpu.memory_space<hbm>> -> memref<100000x128xf32, #tpu.memory_space<hbm>>
    tpu.enqueue_indirect_dma source(%dma_start3A_140 : memref<100000x128xf32, #tpu.memory_space<hbm>>) target(%dma_start3A_134 : memref<50x128xf32, #tpu.memory_space<vmem>>) offsets(%dma_start3A_137 : memref<50xi32, #tpu.memory_space<vmem>>) semaphore(%arg18 : memref<!tpu.dma_semaphore, #tpu.memory_space<semaphore_mem>>)
    %dma_start3A_141 = arith.constant 9 : i32
    %dma_start3A_142 = arith.constant 1 : i32
    %dma_start3A_143 = arith.constant 0 : i32
    %dma_start3A_144 = arith.constant 0 : i32
    %dma_start3A_145 = tpu.memref_slice %arg10[%dma_start3A_142, %dma_start3A_143, %dma_start3A_144] : memref<2x50x128xf32, #tpu.memory_space<vmem>> -> memref<1x50x128xf32, #tpu.memory_space<vmem>>
    %dma_start3A_146 = tpu.memref_squeeze %dma_start3A_145 : memref<1x50x128xf32, #tpu.memory_space<vmem>> -> memref<50x128xf32, #tpu.memory_space<vmem>>
    %dma_start3A_147 = arith.constant 0 : i32
    %dma_start3A_148 = tpu.memref_slice %arg5[%dma_start3A_141, %dma_start3A_147] : memref<128x50xi32, #tpu.memory_space<vmem>> -> memref<1x50xi32, #tpu.memory_space<vmem>>
    %dma_start3A_149 = tpu.memref_squeeze %dma_start3A_148 : memref<1x50xi32, #tpu.memory_space<vmem>> -> memref<50xi32, #tpu.memory_space<vmem>>
    %dma_start3A_150 = arith.constant 0 : i32
    %dma_start3A_151 = arith.constant 0 : i32
    %dma_start3A_152 = tpu.memref_slice %arg2[%dma_start3A_150, %dma_start3A_151] : memref<100000x128xf32, #tpu.memory_space<hbm>> -> memref<100000x128xf32, #tpu.memory_space<hbm>>
    tpu.enqueue_indirect_dma source(%dma_start3A_152 : memref<100000x128xf32, #tpu.memory_space<hbm>>) target(%dma_start3A_146 : memref<50x128xf32, #tpu.memory_space<vmem>>) offsets(%dma_start3A_149 : memref<50xi32, #tpu.memory_space<vmem>>) semaphore(%arg18 : memref<!tpu.dma_semaphore, #tpu.memory_space<semaphore_mem>>)
    %dma_wait3A_153 = arith.constant 0 : i32
    %dma_wait3A_154 = arith.constant 0 : i32
    %dma_wait3A_155 = arith.constant 0 : i32
    %dma_wait3A_156 = tpu.memref_slice %arg4[%dma_wait3A_153, %dma_wait3A_154, %dma_wait3A_155] : memref<4096x50x128xf32, #tpu.memory_space<hbm>> -> memref<2x50x128xf32, #tpu.memory_space<hbm>>
    %dma_wait3A_157 = arith.constant 0 : i32
    %dma_wait3A_158 = arith.constant 0 : i32
    %dma_wait3A_159 = arith.constant 0 : i32
    %dma_wait3A_160 = tpu.memref_slice %arg4[%dma_wait3A_157, %dma_wait3A_158, %dma_wait3A_159] : memref<4096x50x128xf32, #tpu.memory_space<hbm>> -> memref<2x50x128xf32, #tpu.memory_space<hbm>>
    tpu.wait_dma2 semaphore(%arg16 : memref<!tpu.dma_semaphore, #tpu.memory_space<semaphore_mem>>) src(%dma_wait3A_160 : memref<2x50x128xf32, #tpu.memory_space<hbm>>) dst(%arg8 : memref<2x50x128xf32, #tpu.memory_space<vmem>>)
    %add3A_161 = arith.constant 4 : i32
    %add3A_162 = arith.addi %mul3A_2, %add3A_161 : i32
    %dma_start3A_163 = arith.constant 0 : i32
    %dma_start3A_164 = arith.constant 0 : i32
    %dma_start3A_165 = tpu.memref_slice %arg4[%add3A_162, %dma_start3A_163, %dma_start3A_164] : memref<4096x50x128xf32, #tpu.memory_space<hbm>> -> memref<2x50x128xf32, #tpu.memory_space<hbm>>
    %dma_start3A_166 = arith.constant 0 : i32
    %dma_start3A_167 = arith.constant 0 : i32
    %dma_start3A_168 = tpu.memref_slice %arg4[%add3A_162, %dma_start3A_166, %dma_start3A_167] : memref<4096x50x128xf32, #tpu.memory_space<hbm>> -> memref<2x50x128xf32, #tpu.memory_space<hbm>>
    tpu.enqueue_dma source(%arg8 : memref<2x50x128xf32, #tpu.memory_space<vmem>>) target(%dma_start3A_168 : memref<2x50x128xf32, #tpu.memory_space<hbm>>) target_semaphore(%arg24 : memref<!tpu.dma_semaphore, #tpu.memory_space<semaphore_mem>>)
    %dma_start3A_169 = arith.constant 10 : i32
    %dma_start3A_170 = arith.constant 0 : i32
    %dma_start3A_171 = arith.constant 0 : i32
    %dma_start3A_172 = arith.constant 0 : i32
    %dma_start3A_173 = tpu.memref_slice %arg11[%dma_start3A_170, %dma_start3A_171, %dma_start3A_172] : memref<2x50x128xf32, #tpu.memory_space<vmem>> -> memref<1x50x128xf32, #tpu.memory_space<vmem>>
    %dma_start3A_174 = tpu.memref_squeeze %dma_start3A_173 : memref<1x50x128xf32, #tpu.memory_space<vmem>> -> memref<50x128xf32, #tpu.memory_space<vmem>>
    %dma_start3A_175 = arith.constant 0 : i32
    %dma_start3A_176 = tpu.memref_slice %arg5[%dma_start3A_169, %dma_start3A_175] : memref<128x50xi32, #tpu.memory_space<vmem>> -> memref<1x50xi32, #tpu.memory_space<vmem>>
    %dma_start3A_177 = tpu.memref_squeeze %dma_start3A_176 : memref<1x50xi32, #tpu.memory_space<vmem>> -> memref<50xi32, #tpu.memory_space<vmem>>
    %dma_start3A_178 = arith.constant 0 : i32
    %dma_start3A_179 = arith.constant 0 : i32
    %dma_start3A_180 = tpu.memref_slice %arg2[%dma_start3A_178, %dma_start3A_179] : memref<100000x128xf32, #tpu.memory_space<hbm>> -> memref<100000x128xf32, #tpu.memory_space<hbm>>
    tpu.enqueue_indirect_dma source(%dma_start3A_180 : memref<100000x128xf32, #tpu.memory_space<hbm>>) target(%dma_start3A_174 : memref<50x128xf32, #tpu.memory_space<vmem>>) offsets(%dma_start3A_177 : memref<50xi32, #tpu.memory_space<vmem>>) semaphore(%arg19 : memref<!tpu.dma_semaphore, #tpu.memory_space<semaphore_mem>>)
    %dma_start3A_181 = arith.constant 11 : i32
    %dma_start3A_182 = arith.constant 1 : i32
    %dma_start3A_183 = arith.constant 0 : i32
    %dma_start3A_184 = arith.constant 0 : i32
    %dma_start3A_185 = tpu.memref_slice %arg11[%dma_start3A_182, %dma_start3A_183, %dma_start3A_184] : memref<2x50x128xf32, #tpu.memory_space<vmem>> -> memref<1x50x128xf32, #tpu.memory_space<vmem>>
    %dma_start3A_186 = tpu.memref_squeeze %dma_start3A_185 : memref<1x50x128xf32, #tpu.memory_space<vmem>> -> memref<50x128xf32, #tpu.memory_space<vmem>>
    %dma_start3A_187 = arith.constant 0 : i32
    %dma_start3A_188 = tpu.memref_slice %arg5[%dma_start3A_181, %dma_start3A_187] : memref<128x50xi32, #tpu.memory_space<vmem>> -> memref<1x50xi32, #tpu.memory_space<vmem>>
    %dma_start3A_189 = tpu.memref_squeeze %dma_start3A_188 : memref<1x50xi32, #tpu.memory_space<vmem>> -> memref<50xi32, #tpu.memory_space<vmem>>
    %dma_start3A_190 = arith.constant 0 : i32
    %dma_start3A_191 = arith.constant 0 : i32
    %dma_start3A_192 = tpu.memref_slice %arg2[%dma_start3A_190, %dma_start3A_191] : memref<100000x128xf32, #tpu.memory_space<hbm>> -> memref<100000x128xf32, #tpu.memory_space<hbm>>
    tpu.enqueue_indirect_dma source(%dma_start3A_192 : memref<100000x128xf32, #tpu.memory_space<hbm>>) target(%dma_start3A_186 : memref<50x128xf32, #tpu.memory_space<vmem>>) offsets(%dma_start3A_189 : memref<50xi32, #tpu.memory_space<vmem>>) semaphore(%arg19 : memref<!tpu.dma_semaphore, #tpu.memory_space<semaphore_mem>>)
    %dma_wait3A_193 = arith.constant 0 : i32
    %dma_wait3A_194 = arith.constant 0 : i32
    %dma_wait3A_195 = arith.constant 0 : i32
    %dma_wait3A_196 = tpu.memref_slice %arg4[%dma_wait3A_193, %dma_wait3A_194, %dma_wait3A_195] : memref<4096x50x128xf32, #tpu.memory_space<hbm>> -> memref<2x50x128xf32, #tpu.memory_space<hbm>>
    %dma_wait3A_197 = arith.constant 0 : i32
    %dma_wait3A_198 = arith.constant 0 : i32
    %dma_wait3A_199 = arith.constant 0 : i32
    %dma_wait3A_200 = tpu.memref_slice %arg4[%dma_wait3A_197, %dma_wait3A_198, %dma_wait3A_199] : memref<4096x50x128xf32, #tpu.memory_space<hbm>> -> memref<2x50x128xf32, #tpu.memory_space<hbm>>
    tpu.wait_dma2 semaphore(%arg17 : memref<!tpu.dma_semaphore, #tpu.memory_space<semaphore_mem>>) src(%dma_wait3A_200 : memref<2x50x128xf32, #tpu.memory_space<hbm>>) dst(%arg9 : memref<2x50x128xf32, #tpu.memory_space<vmem>>)
    %add3A_201 = arith.constant 6 : i32
    %add3A_202 = arith.addi %mul3A_2, %add3A_201 : i32
    %dma_start3A_203 = arith.constant 0 : i32
    %dma_start3A_204 = arith.constant 0 : i32
    %dma_start3A_205 = tpu.memref_slice %arg4[%add3A_202, %dma_start3A_203, %dma_start3A_204] : memref<4096x50x128xf32, #tpu.memory_space<hbm>> -> memref<2x50x128xf32, #tpu.memory_space<hbm>>
    %dma_start3A_206 = arith.constant 0 : i32
    %dma_start3A_207 = arith.constant 0 : i32
    %dma_start3A_208 = tpu.memref_slice %arg4[%add3A_202, %dma_start3A_206, %dma_start3A_207] : memref<4096x50x128xf32, #tpu.memory_space<hbm>> -> memref<2x50x128xf32, #tpu.memory_space<hbm>>
    tpu.enqueue_dma source(%arg9 : memref<2x50x128xf32, #tpu.memory_space<vmem>>) target(%dma_start3A_208 : memref<2x50x128xf32, #tpu.memory_space<hbm>>) target_semaphore(%arg25 : memref<!tpu.dma_semaphore, #tpu.memory_space<semaphore_mem>>)
    %dma_start3A_209 = arith.constant 12 : i32
    %dma_start3A_210 = arith.constant 0 : i32
    %dma_start3A_211 = arith.constant 0 : i32
    %dma_start3A_212 = arith.constant 0 : i32
    %dma_start3A_213 = tpu.memref_slice %arg12[%dma_start3A_210, %dma_start3A_211, %dma_start3A_212] : memref<2x50x128xf32, #tpu.memory_space<vmem>> -> memref<1x50x128xf32, #tpu.memory_space<vmem>>
    %dma_start3A_214 = tpu.memref_squeeze %dma_start3A_213 : memref<1x50x128xf32, #tpu.memory_space<vmem>> -> memref<50x128xf32, #tpu.memory_space<vmem>>
    %dma_start3A_215 = arith.constant 0 : i32
    %dma_start3A_216 = tpu.memref_slice %arg5[%dma_start3A_209, %dma_start3A_215] : memref<128x50xi32, #tpu.memory_space<vmem>> -> memref<1x50xi32, #tpu.memory_space<vmem>>
    %dma_start3A_217 = tpu.memref_squeeze %dma_start3A_216 : memref<1x50xi32, #tpu.memory_space<vmem>> -> memref<50xi32, #tpu.memory_space<vmem>>
    %dma_start3A_218 = arith.constant 0 : i32
    %dma_start3A_219 = arith.constant 0 : i32
    %dma_start3A_220 = tpu.memref_slice %arg2[%dma_start3A_218, %dma_start3A_219] : memref<100000x128xf32, #tpu.memory_space<hbm>> -> memref<100000x128xf32, #tpu.memory_space<hbm>>
    tpu.enqueue_indirect_dma source(%dma_start3A_220 : memref<100000x128xf32, #tpu.memory_space<hbm>>) target(%dma_start3A_214 : memref<50x128xf32, #tpu.memory_space<vmem>>) offsets(%dma_start3A_217 : memref<50xi32, #tpu.memory_space<vmem>>) semaphore(%arg20 : memref<!tpu.dma_semaphore, #tpu.memory_space<semaphore_mem>>)
    %dma_start3A_221 = arith.constant 13 : i32
    %dma_start3A_222 = arith.constant 1 : i32
    %dma_start3A_223 = arith.constant 0 : i32
    %dma_start3A_224 = arith.constant 0 : i32
    %dma_start3A_225 = tpu.memref_slice %arg12[%dma_start3A_222, %dma_start3A_223, %dma_start3A_224] : memref<2x50x128xf32, #tpu.memory_space<vmem>> -> memref<1x50x128xf32, #tpu.memory_space<vmem>>
    %dma_start3A_226 = tpu.memref_squeeze %dma_start3A_225 : memref<1x50x128xf32, #tpu.memory_space<vmem>> -> memref<50x128xf32, #tpu.memory_space<vmem>>
    %dma_start3A_227 = arith.constant 0 : i32
    %dma_start3A_228 = tpu.memref_slice %arg5[%dma_start3A_221, %dma_start3A_227] : memref<128x50xi32, #tpu.memory_space<vmem>> -> memref<1x50xi32, #tpu.memory_space<vmem>>
    %dma_start3A_229 = tpu.memref_squeeze %dma_start3A_228 : memref<1x50xi32, #tpu.memory_space<vmem>> -> memref<50xi32, #tpu.memory_space<vmem>>
    %dma_start3A_230 = arith.constant 0 : i32
    %dma_start3A_231 = arith.constant 0 : i32
    %dma_start3A_232 = tpu.memref_slice %arg2[%dma_start3A_230, %dma_start3A_231] : memref<100000x128xf32, #tpu.memory_space<hbm>> -> memref<100000x128xf32, #tpu.memory_space<hbm>>
    tpu.enqueue_indirect_dma source(%dma_start3A_232 : memref<100000x128xf32, #tpu.memory_space<hbm>>) target(%dma_start3A_226 : memref<50x128xf32, #tpu.memory_space<vmem>>) offsets(%dma_start3A_229 : memref<50xi32, #tpu.memory_space<vmem>>) semaphore(%arg20 : memref<!tpu.dma_semaphore, #tpu.memory_space<semaphore_mem>>)
    %dma_wait3A_233 = arith.constant 0 : i32
    %dma_wait3A_234 = arith.constant 0 : i32
    %dma_wait3A_235 = arith.constant 0 : i32
    %dma_wait3A_236 = tpu.memref_slice %arg4[%dma_wait3A_233, %dma_wait3A_234, %dma_wait3A_235] : memref<4096x50x128xf32, #tpu.memory_space<hbm>> -> memref<2x50x128xf32, #tpu.memory_space<hbm>>
    %dma_wait3A_237 = arith.constant 0 : i32
    %dma_wait3A_238 = arith.constant 0 : i32
    %dma_wait3A_239 = arith.constant 0 : i32
    %dma_wait3A_240 = tpu.memref_slice %arg4[%dma_wait3A_237, %dma_wait3A_238, %dma_wait3A_239] : memref<4096x50x128xf32, #tpu.memory_space<hbm>> -> memref<2x50x128xf32, #tpu.memory_space<hbm>>
    tpu.wait_dma2 semaphore(%arg18 : memref<!tpu.dma_semaphore, #tpu.memory_space<semaphore_mem>>) src(%dma_wait3A_240 : memref<2x50x128xf32, #tpu.memory_space<hbm>>) dst(%arg10 : memref<2x50x128xf32, #tpu.memory_space<vmem>>)
    %add3A_241 = arith.constant 8 : i32
    %add3A_242 = arith.addi %mul3A_2, %add3A_241 : i32
    %dma_start3A_243 = arith.constant 0 : i32
    %dma_start3A_244 = arith.constant 0 : i32
    %dma_start3A_245 = tpu.memref_slice %arg4[%add3A_242, %dma_start3A_243, %dma_start3A_244] : memref<4096x50x128xf32, #tpu.memory_space<hbm>> -> memref<2x50x128xf32, #tpu.memory_space<hbm>>
    %dma_start3A_246 = arith.constant 0 : i32
    %dma_start3A_247 = arith.constant 0 : i32
    %dma_start3A_248 = tpu.memref_slice %arg4[%add3A_242, %dma_start3A_246, %dma_start3A_247] : memref<4096x50x128xf32, #tpu.memory_space<hbm>> -> memref<2x50x128xf32, #tpu.memory_space<hbm>>
    tpu.enqueue_dma source(%arg10 : memref<2x50x128xf32, #tpu.memory_space<vmem>>) target(%dma_start3A_248 : memref<2x50x128xf32, #tpu.memory_space<hbm>>) target_semaphore(%arg26 : memref<!tpu.dma_semaphore, #tpu.memory_space<semaphore_mem>>)
    %dma_start3A_249 = arith.constant 14 : i32
    %dma_start3A_250 = arith.constant 0 : i32
    %dma_start3A_251 = arith.constant 0 : i32
    %dma_start3A_252 = arith.constant 0 : i32
    %dma_start3A_253 = tpu.memref_slice %arg13[%dma_start3A_250, %dma_start3A_251, %dma_start3A_252] : memref<2x50x128xf32, #tpu.memory_space<vmem>> -> memref<1x50x128xf32, #tpu.memory_space<vmem>>
    %dma_start3A_254 = tpu.memref_squeeze %dma_start3A_253 : memref<1x50x128xf32, #tpu.memory_space<vmem>> -> memref<50x128xf32, #tpu.memory_space<vmem>>
    %dma_start3A_255 = arith.constant 0 : i32
    %dma_start3A_256 = tpu.memref_slice %arg5[%dma_start3A_249, %dma_start3A_255] : memref<128x50xi32, #tpu.memory_space<vmem>> -> memref<1x50xi32, #tpu.memory_space<vmem>>
    %dma_start3A_257 = tpu.memref_squeeze %dma_start3A_256 : memref<1x50xi32, #tpu.memory_space<vmem>> -> memref<50xi32, #tpu.memory_space<vmem>>
    %dma_start3A_258 = arith.constant 0 : i32
    %dma_start3A_259 = arith.constant 0 : i32
    %dma_start3A_260 = tpu.memref_slice %arg2[%dma_start3A_258, %dma_start3A_259] : memref<100000x128xf32, #tpu.memory_space<hbm>> -> memref<100000x128xf32, #tpu.memory_space<hbm>>
    tpu.enqueue_indirect_dma source(%dma_start3A_260 : memref<100000x128xf32, #tpu.memory_space<hbm>>) target(%dma_start3A_254 : memref<50x128xf32, #tpu.memory_space<vmem>>) offsets(%dma_start3A_257 : memref<50xi32, #tpu.memory_space<vmem>>) semaphore(%arg21 : memref<!tpu.dma_semaphore, #tpu.memory_space<semaphore_mem>>)
    %dma_start3A_261 = arith.constant 15 : i32
    %dma_start3A_262 = arith.constant 1 : i32
    %dma_start3A_263 = arith.constant 0 : i32
    %dma_start3A_264 = arith.constant 0 : i32
    %dma_start3A_265 = tpu.memref_slice %arg13[%dma_start3A_262, %dma_start3A_263, %dma_start3A_264] : memref<2x50x128xf32, #tpu.memory_space<vmem>> -> memref<1x50x128xf32, #tpu.memory_space<vmem>>
    %dma_start3A_266 = tpu.memref_squeeze %dma_start3A_265 : memref<1x50x128xf32, #tpu.memory_space<vmem>> -> memref<50x128xf32, #tpu.memory_space<vmem>>
    %dma_start3A_267 = arith.constant 0 : i32
    %dma_start3A_268 = tpu.memref_slice %arg5[%dma_start3A_261, %dma_start3A_267] : memref<128x50xi32, #tpu.memory_space<vmem>> -> memref<1x50xi32, #tpu.memory_space<vmem>>
    %dma_start3A_269 = tpu.memref_squeeze %dma_start3A_268 : memref<1x50xi32, #tpu.memory_space<vmem>> -> memref<50xi32, #tpu.memory_space<vmem>>
    %dma_start3A_270 = arith.constant 0 : i32
    %dma_start3A_271 = arith.constant 0 : i32
    %dma_start3A_272 = tpu.memref_slice %arg2[%dma_start3A_270, %dma_start3A_271] : memref<100000x128xf32, #tpu.memory_space<hbm>> -> memref<100000x128xf32, #tpu.memory_space<hbm>>
    tpu.enqueue_indirect_dma source(%dma_start3A_272 : memref<100000x128xf32, #tpu.memory_space<hbm>>) target(%dma_start3A_266 : memref<50x128xf32, #tpu.memory_space<vmem>>) offsets(%dma_start3A_269 : memref<50xi32, #tpu.memory_space<vmem>>) semaphore(%arg21 : memref<!tpu.dma_semaphore, #tpu.memory_space<semaphore_mem>>)
    %dma_wait3A_273 = arith.constant 0 : i32
    %dma_wait3A_274 = arith.constant 0 : i32
    %dma_wait3A_275 = arith.constant 0 : i32
    %dma_wait3A_276 = tpu.memref_slice %arg4[%dma_wait3A_273, %dma_wait3A_274, %dma_wait3A_275] : memref<4096x50x128xf32, #tpu.memory_space<hbm>> -> memref<2x50x128xf32, #tpu.memory_space<hbm>>
    %dma_wait3A_277 = arith.constant 0 : i32
    %dma_wait3A_278 = arith.constant 0 : i32
    %dma_wait3A_279 = arith.constant 0 : i32
    %dma_wait3A_280 = tpu.memref_slice %arg4[%dma_wait3A_277, %dma_wait3A_278, %dma_wait3A_279] : memref<4096x50x128xf32, #tpu.memory_space<hbm>> -> memref<2x50x128xf32, #tpu.memory_space<hbm>>
    tpu.wait_dma2 semaphore(%arg19 : memref<!tpu.dma_semaphore, #tpu.memory_space<semaphore_mem>>) src(%dma_wait3A_280 : memref<2x50x128xf32, #tpu.memory_space<hbm>>) dst(%arg11 : memref<2x50x128xf32, #tpu.memory_space<vmem>>)
    %add3A_281 = arith.constant 10 : i32
    %add3A_282 = arith.addi %mul3A_2, %add3A_281 : i32
    %dma_start3A_283 = arith.constant 0 : i32
    %dma_start3A_284 = arith.constant 0 : i32
    %dma_start3A_285 = tpu.memref_slice %arg4[%add3A_282, %dma_start3A_283, %dma_start3A_284] : memref<4096x50x128xf32, #tpu.memory_space<hbm>> -> memref<2x50x128xf32, #tpu.memory_space<hbm>>
    %dma_start3A_286 = arith.constant 0 : i32
    %dma_start3A_287 = arith.constant 0 : i32
    %dma_start3A_288 = tpu.memref_slice %arg4[%add3A_282, %dma_start3A_286, %dma_start3A_287] : memref<4096x50x128xf32, #tpu.memory_space<hbm>> -> memref<2x50x128xf32, #tpu.memory_space<hbm>>
    tpu.enqueue_dma source(%arg11 : memref<2x50x128xf32, #tpu.memory_space<vmem>>) target(%dma_start3A_288 : memref<2x50x128xf32, #tpu.memory_space<hbm>>) target_semaphore(%arg27 : memref<!tpu.dma_semaphore, #tpu.memory_space<semaphore_mem>>)
    %scan3A = arith.constant 0 : i32
    %scan3A_289 = arith.constant 7 : i32
    %scan3A_290 = arith.addi %scan3A, %scan3A_289 : i32
    %scan3A_291 = arith.constant 1 : i32
    scf.for %scan3A_389 = %scan3A to %scan3A_290 step %scan3A_291  : i32 {
      %mul3A_390 = arith.constant 1 : i32
      %mul3A_391 = arith.muli %scan3A_389, %mul3A_390 : i32
      %add3A_392 = arith.constant 0 : i32
      %add3A_393 = arith.addi %add3A_392, %mul3A_391 : i32
      %mul3A_394 = arith.constant 8 : i32
      %mul3A_395 = arith.muli %mul3A_394, %add3A_393 : i32
      %add3A_396 = arith.constant 6 : i32
      %add3A_397 = arith.addi %add3A_396, %mul3A_395 : i32
      %add3A_398 = arith.constant 0 : i32
      %add3A_399 = arith.addi %add3A_397, %add3A_398 : i32
      %dma_wait3A_400 = arith.constant 0 : i32
      %dma_wait3A_401 = arith.constant 0 : i32
      %dma_wait3A_402 = arith.constant 0 : i32
      %dma_wait3A_403 = tpu.memref_slice %arg4[%dma_wait3A_400, %dma_wait3A_401, %dma_wait3A_402] : memref<4096x50x128xf32, #tpu.memory_space<hbm>> -> memref<2x50x128xf32, #tpu.memory_space<hbm>>
      %dma_wait3A_404 = arith.constant 0 : i32
      %dma_wait3A_405 = arith.constant 0 : i32
      %dma_wait3A_406 = arith.constant 0 : i32
      %dma_wait3A_407 = tpu.memref_slice %arg4[%dma_wait3A_404, %dma_wait3A_405, %dma_wait3A_406] : memref<4096x50x128xf32, #tpu.memory_space<hbm>> -> memref<2x50x128xf32, #tpu.memory_space<hbm>>
      tpu.wait_dma2 semaphore(%arg22 : memref<!tpu.dma_semaphore, #tpu.memory_space<semaphore_mem>>) src(%dma_wait3A_407 : memref<2x50x128xf32, #tpu.memory_space<hbm>>) dst(%arg6 : memref<2x50x128xf32, #tpu.memory_space<vmem>>)
      %add3A_408 = arith.constant 2 : i32
      %add3A_409 = arith.addi %add3A_399, %add3A_408 : i32
      %mul3A_410 = arith.constant 2 : i32
      %mul3A_411 = arith.muli %add3A_409, %mul3A_410 : i32
      %add3A_412 = arith.constant 0 : i32
      %add3A_413 = arith.addi %mul3A_411, %add3A_412 : i32
      %dma_start3A_414 = arith.constant 0 : i32
      %dma_start3A_415 = arith.constant 0 : i32
      %dma_start3A_416 = arith.constant 0 : i32
      %dma_start3A_417 = tpu.memref_slice %arg6[%dma_start3A_414, %dma_start3A_415, %dma_start3A_416] : memref<2x50x128xf32, #tpu.memory_space<vmem>> -> memref<1x50x128xf32, #tpu.memory_space<vmem>>
      %dma_start3A_418 = tpu.memref_squeeze %dma_start3A_417 : memref<1x50x128xf32, #tpu.memory_space<vmem>> -> memref<50x128xf32, #tpu.memory_space<vmem>>
      %dma_start3A_419 = arith.constant 0 : i32
      %dma_start3A_420 = tpu.memref_slice %arg5[%add3A_413, %dma_start3A_419] : memref<128x50xi32, #tpu.memory_space<vmem>> -> memref<1x50xi32, #tpu.memory_space<vmem>>
      %dma_start3A_421 = tpu.memref_squeeze %dma_start3A_420 : memref<1x50xi32, #tpu.memory_space<vmem>> -> memref<50xi32, #tpu.memory_space<vmem>>
      %dma_start3A_422 = arith.constant 0 : i32
      %dma_start3A_423 = arith.constant 0 : i32
      %dma_start3A_424 = tpu.memref_slice %arg2[%dma_start3A_422, %dma_start3A_423] : memref<100000x128xf32, #tpu.memory_space<hbm>> -> memref<100000x128xf32, #tpu.memory_space<hbm>>
      tpu.enqueue_indirect_dma source(%dma_start3A_424 : memref<100000x128xf32, #tpu.memory_space<hbm>>) target(%dma_start3A_418 : memref<50x128xf32, #tpu.memory_space<vmem>>) offsets(%dma_start3A_421 : memref<50xi32, #tpu.memory_space<vmem>>) semaphore(%arg14 : memref<!tpu.dma_semaphore, #tpu.memory_space<semaphore_mem>>)
      %mul3A_425 = arith.constant 2 : i32
      %mul3A_426 = arith.muli %add3A_409, %mul3A_425 : i32
      %add3A_427 = arith.constant 1 : i32
      %add3A_428 = arith.addi %mul3A_426, %add3A_427 : i32
      %dma_start3A_429 = arith.constant 1 : i32
      %dma_start3A_430 = arith.constant 0 : i32
      %dma_start3A_431 = arith.constant 0 : i32
      %dma_start3A_432 = tpu.memref_slice %arg6[%dma_start3A_429, %dma_start3A_430, %dma_start3A_431] : memref<2x50x128xf32, #tpu.memory_space<vmem>> -> memref<1x50x128xf32, #tpu.memory_space<vmem>>
      %dma_start3A_433 = tpu.memref_squeeze %dma_start3A_432 : memref<1x50x128xf32, #tpu.memory_space<vmem>> -> memref<50x128xf32, #tpu.memory_space<vmem>>
      %dma_start3A_434 = arith.constant 0 : i32
      %dma_start3A_435 = tpu.memref_slice %arg5[%add3A_428, %dma_start3A_434] : memref<128x50xi32, #tpu.memory_space<vmem>> -> memref<1x50xi32, #tpu.memory_space<vmem>>
      %dma_start3A_436 = tpu.memref_squeeze %dma_start3A_435 : memref<1x50xi32, #tpu.memory_space<vmem>> -> memref<50xi32, #tpu.memory_space<vmem>>
      %dma_start3A_437 = arith.constant 0 : i32
      %dma_start3A_438 = arith.constant 0 : i32
      %dma_start3A_439 = tpu.memref_slice %arg2[%dma_start3A_437, %dma_start3A_438] : memref<100000x128xf32, #tpu.memory_space<hbm>> -> memref<100000x128xf32, #tpu.memory_space<hbm>>
      tpu.enqueue_indirect_dma source(%dma_start3A_439 : memref<100000x128xf32, #tpu.memory_space<hbm>>) target(%dma_start3A_433 : memref<50x128xf32, #tpu.memory_space<vmem>>) offsets(%dma_start3A_436 : memref<50xi32, #tpu.memory_space<vmem>>) semaphore(%arg14 : memref<!tpu.dma_semaphore, #tpu.memory_space<semaphore_mem>>)
      %dma_wait3A_440 = arith.constant 0 : i32
      %dma_wait3A_441 = arith.constant 0 : i32
      %dma_wait3A_442 = arith.constant 0 : i32
      %dma_wait3A_443 = tpu.memref_slice %arg4[%dma_wait3A_440, %dma_wait3A_441, %dma_wait3A_442] : memref<4096x50x128xf32, #tpu.memory_space<hbm>> -> memref<2x50x128xf32, #tpu.memory_space<hbm>>
      %dma_wait3A_444 = arith.constant 0 : i32
      %dma_wait3A_445 = arith.constant 0 : i32
      %dma_wait3A_446 = arith.constant 0 : i32
      %dma_wait3A_447 = tpu.memref_slice %arg4[%dma_wait3A_444, %dma_wait3A_445, %dma_wait3A_446] : memref<4096x50x128xf32, #tpu.memory_space<hbm>> -> memref<2x50x128xf32, #tpu.memory_space<hbm>>
      tpu.wait_dma2 semaphore(%arg20 : memref<!tpu.dma_semaphore, #tpu.memory_space<semaphore_mem>>) src(%dma_wait3A_447 : memref<2x50x128xf32, #tpu.memory_space<hbm>>) dst(%arg12 : memref<2x50x128xf32, #tpu.memory_space<vmem>>)
      %mul3A_448 = arith.constant 2 : i32
      %mul3A_449 = arith.muli %add3A_399, %mul3A_448 : i32
      %add3A_450 = arith.addi %mul3A_2, %mul3A_449 : i32
      %dma_start3A_451 = arith.constant 0 : i32
      %dma_start3A_452 = arith.constant 0 : i32
      %dma_start3A_453 = tpu.memref_slice %arg4[%add3A_450, %dma_start3A_451, %dma_start3A_452] : memref<4096x50x128xf32, #tpu.memory_space<hbm>> -> memref<2x50x128xf32, #tpu.memory_space<hbm>>
      %dma_start3A_454 = arith.constant 0 : i32
      %dma_start3A_455 = arith.constant 0 : i32
      %dma_start3A_456 = tpu.memref_slice %arg4[%add3A_450, %dma_start3A_454, %dma_start3A_455] : memref<4096x50x128xf32, #tpu.memory_space<hbm>> -> memref<2x50x128xf32, #tpu.memory_space<hbm>>
      tpu.enqueue_dma source(%arg12 : memref<2x50x128xf32, #tpu.memory_space<vmem>>) target(%dma_start3A_456 : memref<2x50x128xf32, #tpu.memory_space<hbm>>) target_semaphore(%arg28 : memref<!tpu.dma_semaphore, #tpu.memory_space<semaphore_mem>>)
      %mul3A_457 = arith.constant 8 : i32
      %mul3A_458 = arith.muli %mul3A_457, %add3A_393 : i32
      %add3A_459 = arith.constant 6 : i32
      %add3A_460 = arith.addi %add3A_459, %mul3A_458 : i32
      %add3A_461 = arith.constant 1 : i32
      %add3A_462 = arith.addi %add3A_460, %add3A_461 : i32
      %dma_wait3A_463 = arith.constant 0 : i32
      %dma_wait3A_464 = arith.constant 0 : i32
      %dma_wait3A_465 = arith.constant 0 : i32
      %dma_wait3A_466 = tpu.memref_slice %arg4[%dma_wait3A_463, %dma_wait3A_464, %dma_wait3A_465] : memref<4096x50x128xf32, #tpu.memory_space<hbm>> -> memref<2x50x128xf32, #tpu.memory_space<hbm>>
      %dma_wait3A_467 = arith.constant 0 : i32
      %dma_wait3A_468 = arith.constant 0 : i32
      %dma_wait3A_469 = arith.constant 0 : i32
      %dma_wait3A_470 = tpu.memref_slice %arg4[%dma_wait3A_467, %dma_wait3A_468, %dma_wait3A_469] : memref<4096x50x128xf32, #tpu.memory_space<hbm>> -> memref<2x50x128xf32, #tpu.memory_space<hbm>>
      tpu.wait_dma2 semaphore(%arg23 : memref<!tpu.dma_semaphore, #tpu.memory_space<semaphore_mem>>) src(%dma_wait3A_470 : memref<2x50x128xf32, #tpu.memory_space<hbm>>) dst(%arg7 : memref<2x50x128xf32, #tpu.memory_space<vmem>>)
      %add3A_471 = arith.constant 2 : i32
      %add3A_472 = arith.addi %add3A_462, %add3A_471 : i32
      %mul3A_473 = arith.constant 2 : i32
      %mul3A_474 = arith.muli %add3A_472, %mul3A_473 : i32
      %add3A_475 = arith.constant 0 : i32
      %add3A_476 = arith.addi %mul3A_474, %add3A_475 : i32
      %dma_start3A_477 = arith.constant 0 : i32
      %dma_start3A_478 = arith.constant 0 : i32
      %dma_start3A_479 = arith.constant 0 : i32
      %dma_start3A_480 = tpu.memref_slice %arg7[%dma_start3A_477, %dma_start3A_478, %dma_start3A_479] : memref<2x50x128xf32, #tpu.memory_space<vmem>> -> memref<1x50x128xf32, #tpu.memory_space<vmem>>
      %dma_start3A_481 = tpu.memref_squeeze %dma_start3A_480 : memref<1x50x128xf32, #tpu.memory_space<vmem>> -> memref<50x128xf32, #tpu.memory_space<vmem>>
      %dma_start3A_482 = arith.constant 0 : i32
      %dma_start3A_483 = tpu.memref_slice %arg5[%add3A_476, %dma_start3A_482] : memref<128x50xi32, #tpu.memory_space<vmem>> -> memref<1x50xi32, #tpu.memory_space<vmem>>
      %dma_start3A_484 = tpu.memref_squeeze %dma_start3A_483 : memref<1x50xi32, #tpu.memory_space<vmem>> -> memref<50xi32, #tpu.memory_space<vmem>>
      %dma_start3A_485 = arith.constant 0 : i32
      %dma_start3A_486 = arith.constant 0 : i32
      %dma_start3A_487 = tpu.memref_slice %arg2[%dma_start3A_485, %dma_start3A_486] : memref<100000x128xf32, #tpu.memory_space<hbm>> -> memref<100000x128xf32, #tpu.memory_space<hbm>>
      tpu.enqueue_indirect_dma source(%dma_start3A_487 : memref<100000x128xf32, #tpu.memory_space<hbm>>) target(%dma_start3A_481 : memref<50x128xf32, #tpu.memory_space<vmem>>) offsets(%dma_start3A_484 : memref<50xi32, #tpu.memory_space<vmem>>) semaphore(%arg15 : memref<!tpu.dma_semaphore, #tpu.memory_space<semaphore_mem>>)
      %mul3A_488 = arith.constant 2 : i32
      %mul3A_489 = arith.muli %add3A_472, %mul3A_488 : i32
      %add3A_490 = arith.constant 1 : i32
      %add3A_491 = arith.addi %mul3A_489, %add3A_490 : i32
      %dma_start3A_492 = arith.constant 1 : i32
      %dma_start3A_493 = arith.constant 0 : i32
      %dma_start3A_494 = arith.constant 0 : i32
      %dma_start3A_495 = tpu.memref_slice %arg7[%dma_start3A_492, %dma_start3A_493, %dma_start3A_494] : memref<2x50x128xf32, #tpu.memory_space<vmem>> -> memref<1x50x128xf32, #tpu.memory_space<vmem>>
      %dma_start3A_496 = tpu.memref_squeeze %dma_start3A_495 : memref<1x50x128xf32, #tpu.memory_space<vmem>> -> memref<50x128xf32, #tpu.memory_space<vmem>>
      %dma_start3A_497 = arith.constant 0 : i32
      %dma_start3A_498 = tpu.memref_slice %arg5[%add3A_491, %dma_start3A_497] : memref<128x50xi32, #tpu.memory_space<vmem>> -> memref<1x50xi32, #tpu.memory_space<vmem>>
      %dma_start3A_499 = tpu.memref_squeeze %dma_start3A_498 : memref<1x50xi32, #tpu.memory_space<vmem>> -> memref<50xi32, #tpu.memory_space<vmem>>
      %dma_start3A_500 = arith.constant 0 : i32
      %dma_start3A_501 = arith.constant 0 : i32
      %dma_start3A_502 = tpu.memref_slice %arg2[%dma_start3A_500, %dma_start3A_501] : memref<100000x128xf32, #tpu.memory_space<hbm>> -> memref<100000x128xf32, #tpu.memory_space<hbm>>
      tpu.enqueue_indirect_dma source(%dma_start3A_502 : memref<100000x128xf32, #tpu.memory_space<hbm>>) target(%dma_start3A_496 : memref<50x128xf32, #tpu.memory_space<vmem>>) offsets(%dma_start3A_499 : memref<50xi32, #tpu.memory_space<vmem>>) semaphore(%arg15 : memref<!tpu.dma_semaphore, #tpu.memory_space<semaphore_mem>>)
      %dma_wait3A_503 = arith.constant 0 : i32
      %dma_wait3A_504 = arith.constant 0 : i32
      %dma_wait3A_505 = arith.constant 0 : i32
      %dma_wait3A_506 = tpu.memref_slice %arg4[%dma_wait3A_503, %dma_wait3A_504, %dma_wait3A_505] : memref<4096x50x128xf32, #tpu.memory_space<hbm>> -> memref<2x50x128xf32, #tpu.memory_space<hbm>>
      %dma_wait3A_507 = arith.constant 0 : i32
      %dma_wait3A_508 = arith.constant 0 : i32
      %dma_wait3A_509 = arith.constant 0 : i32
      %dma_wait3A_510 = tpu.memref_slice %arg4[%dma_wait3A_507, %dma_wait3A_508, %dma_wait3A_509] : memref<4096x50x128xf32, #tpu.memory_space<hbm>> -> memref<2x50x128xf32, #tpu.memory_space<hbm>>
      tpu.wait_dma2 semaphore(%arg21 : memref<!tpu.dma_semaphore, #tpu.memory_space<semaphore_mem>>) src(%dma_wait3A_510 : memref<2x50x128xf32, #tpu.memory_space<hbm>>) dst(%arg13 : memref<2x50x128xf32, #tpu.memory_space<vmem>>)
      %mul3A_511 = arith.constant 2 : i32
      %mul3A_512 = arith.muli %add3A_462, %mul3A_511 : i32
      %add3A_513 = arith.addi %mul3A_2, %mul3A_512 : i32
      %dma_start3A_514 = arith.constant 0 : i32
      %dma_start3A_515 = arith.constant 0 : i32
      %dma_start3A_516 = tpu.memref_slice %arg4[%add3A_513, %dma_start3A_514, %dma_start3A_515] : memref<4096x50x128xf32, #tpu.memory_space<hbm>> -> memref<2x50x128xf32, #tpu.memory_space<hbm>>
      %dma_start3A_517 = arith.constant 0 : i32
      %dma_start3A_518 = arith.constant 0 : i32
      %dma_start3A_519 = tpu.memref_slice %arg4[%add3A_513, %dma_start3A_517, %dma_start3A_518] : memref<4096x50x128xf32, #tpu.memory_space<hbm>> -> memref<2x50x128xf32, #tpu.memory_space<hbm>>
      tpu.enqueue_dma source(%arg13 : memref<2x50x128xf32, #tpu.memory_space<vmem>>) target(%dma_start3A_519 : memref<2x50x128xf32, #tpu.memory_space<hbm>>) target_semaphore(%arg29 : memref<!tpu.dma_semaphore, #tpu.memory_space<semaphore_mem>>)
      %mul3A_520 = arith.constant 8 : i32
      %mul3A_521 = arith.muli %mul3A_520, %add3A_393 : i32
      %add3A_522 = arith.constant 6 : i32
      %add3A_523 = arith.addi %add3A_522, %mul3A_521 : i32
      %add3A_524 = arith.constant 2 : i32
      %add3A_525 = arith.addi %add3A_523, %add3A_524 : i32
      %dma_wait3A_526 = arith.constant 0 : i32
      %dma_wait3A_527 = arith.constant 0 : i32
      %dma_wait3A_528 = arith.constant 0 : i32
      %dma_wait3A_529 = tpu.memref_slice %arg4[%dma_wait3A_526, %dma_wait3A_527, %dma_wait3A_528] : memref<4096x50x128xf32, #tpu.memory_space<hbm>> -> memref<2x50x128xf32, #tpu.memory_space<hbm>>
      %dma_wait3A_530 = arith.constant 0 : i32
      %dma_wait3A_531 = arith.constant 0 : i32
      %dma_wait3A_532 = arith.constant 0 : i32
      %dma_wait3A_533 = tpu.memref_slice %arg4[%dma_wait3A_530, %dma_wait3A_531, %dma_wait3A_532] : memref<4096x50x128xf32, #tpu.memory_space<hbm>> -> memref<2x50x128xf32, #tpu.memory_space<hbm>>
      tpu.wait_dma2 semaphore(%arg24 : memref<!tpu.dma_semaphore, #tpu.memory_space<semaphore_mem>>) src(%dma_wait3A_533 : memref<2x50x128xf32, #tpu.memory_space<hbm>>) dst(%arg8 : memref<2x50x128xf32, #tpu.memory_space<vmem>>)
      %add3A_534 = arith.constant 2 : i32
      %add3A_535 = arith.addi %add3A_525, %add3A_534 : i32
      %mul3A_536 = arith.constant 2 : i32
      %mul3A_537 = arith.muli %add3A_535, %mul3A_536 : i32
      %add3A_538 = arith.constant 0 : i32
      %add3A_539 = arith.addi %mul3A_537, %add3A_538 : i32
      %dma_start3A_540 = arith.constant 0 : i32
      %dma_start3A_541 = arith.constant 0 : i32
      %dma_start3A_542 = arith.constant 0 : i32
      %dma_start3A_543 = tpu.memref_slice %arg8[%dma_start3A_540, %dma_start3A_541, %dma_start3A_542] : memref<2x50x128xf32, #tpu.memory_space<vmem>> -> memref<1x50x128xf32, #tpu.memory_space<vmem>>
      %dma_start3A_544 = tpu.memref_squeeze %dma_start3A_543 : memref<1x50x128xf32, #tpu.memory_space<vmem>> -> memref<50x128xf32, #tpu.memory_space<vmem>>
      %dma_start3A_545 = arith.constant 0 : i32
      %dma_start3A_546 = tpu.memref_slice %arg5[%add3A_539, %dma_start3A_545] : memref<128x50xi32, #tpu.memory_space<vmem>> -> memref<1x50xi32, #tpu.memory_space<vmem>>
      %dma_start3A_547 = tpu.memref_squeeze %dma_start3A_546 : memref<1x50xi32, #tpu.memory_space<vmem>> -> memref<50xi32, #tpu.memory_space<vmem>>
      %dma_start3A_548 = arith.constant 0 : i32
      %dma_start3A_549 = arith.constant 0 : i32
      %dma_start3A_550 = tpu.memref_slice %arg2[%dma_start3A_548, %dma_start3A_549] : memref<100000x128xf32, #tpu.memory_space<hbm>> -> memref<100000x128xf32, #tpu.memory_space<hbm>>
      tpu.enqueue_indirect_dma source(%dma_start3A_550 : memref<100000x128xf32, #tpu.memory_space<hbm>>) target(%dma_start3A_544 : memref<50x128xf32, #tpu.memory_space<vmem>>) offsets(%dma_start3A_547 : memref<50xi32, #tpu.memory_space<vmem>>) semaphore(%arg16 : memref<!tpu.dma_semaphore, #tpu.memory_space<semaphore_mem>>)
      %mul3A_551 = arith.constant 2 : i32
      %mul3A_552 = arith.muli %add3A_535, %mul3A_551 : i32
      %add3A_553 = arith.constant 1 : i32
      %add3A_554 = arith.addi %mul3A_552, %add3A_553 : i32
      %dma_start3A_555 = arith.constant 1 : i32
      %dma_start3A_556 = arith.constant 0 : i32
      %dma_start3A_557 = arith.constant 0 : i32
      %dma_start3A_558 = tpu.memref_slice %arg8[%dma_start3A_555, %dma_start3A_556, %dma_start3A_557] : memref<2x50x128xf32, #tpu.memory_space<vmem>> -> memref<1x50x128xf32, #tpu.memory_space<vmem>>
      %dma_start3A_559 = tpu.memref_squeeze %dma_start3A_558 : memref<1x50x128xf32, #tpu.memory_space<vmem>> -> memref<50x128xf32, #tpu.memory_space<vmem>>
      %dma_start3A_560 = arith.constant 0 : i32
      %dma_start3A_561 = tpu.memref_slice %arg5[%add3A_554, %dma_start3A_560] : memref<128x50xi32, #tpu.memory_space<vmem>> -> memref<1x50xi32, #tpu.memory_space<vmem>>
      %dma_start3A_562 = tpu.memref_squeeze %dma_start3A_561 : memref<1x50xi32, #tpu.memory_space<vmem>> -> memref<50xi32, #tpu.memory_space<vmem>>
      %dma_start3A_563 = arith.constant 0 : i32
      %dma_start3A_564 = arith.constant 0 : i32
      %dma_start3A_565 = tpu.memref_slice %arg2[%dma_start3A_563, %dma_start3A_564] : memref<100000x128xf32, #tpu.memory_space<hbm>> -> memref<100000x128xf32, #tpu.memory_space<hbm>>
      tpu.enqueue_indirect_dma source(%dma_start3A_565 : memref<100000x128xf32, #tpu.memory_space<hbm>>) target(%dma_start3A_559 : memref<50x128xf32, #tpu.memory_space<vmem>>) offsets(%dma_start3A_562 : memref<50xi32, #tpu.memory_space<vmem>>) semaphore(%arg16 : memref<!tpu.dma_semaphore, #tpu.memory_space<semaphore_mem>>)
      %dma_wait3A_566 = arith.constant 0 : i32
      %dma_wait3A_567 = arith.constant 0 : i32
      %dma_wait3A_568 = arith.constant 0 : i32
      %dma_wait3A_569 = tpu.memref_slice %arg4[%dma_wait3A_566, %dma_wait3A_567, %dma_wait3A_568] : memref<4096x50x128xf32, #tpu.memory_space<hbm>> -> memref<2x50x128xf32, #tpu.memory_space<hbm>>
      %dma_wait3A_570 = arith.constant 0 : i32
      %dma_wait3A_571 = arith.constant 0 : i32
      %dma_wait3A_572 = arith.constant 0 : i32
      %dma_wait3A_573 = tpu.memref_slice %arg4[%dma_wait3A_570, %dma_wait3A_571, %dma_wait3A_572] : memref<4096x50x128xf32, #tpu.memory_space<hbm>> -> memref<2x50x128xf32, #tpu.memory_space<hbm>>
      tpu.wait_dma2 semaphore(%arg14 : memref<!tpu.dma_semaphore, #tpu.memory_space<semaphore_mem>>) src(%dma_wait3A_573 : memref<2x50x128xf32, #tpu.memory_space<hbm>>) dst(%arg6 : memref<2x50x128xf32, #tpu.memory_space<vmem>>)
      %mul3A_574 = arith.constant 2 : i32
      %mul3A_575 = arith.muli %add3A_525, %mul3A_574 : i32
      %add3A_576 = arith.addi %mul3A_2, %mul3A_575 : i32
      %dma_start3A_577 = arith.constant 0 : i32
      %dma_start3A_578 = arith.constant 0 : i32
      %dma_start3A_579 = tpu.memref_slice %arg4[%add3A_576, %dma_start3A_577, %dma_start3A_578] : memref<4096x50x128xf32, #tpu.memory_space<hbm>> -> memref<2x50x128xf32, #tpu.memory_space<hbm>>
      %dma_start3A_580 = arith.constant 0 : i32
      %dma_start3A_581 = arith.constant 0 : i32
      %dma_start3A_582 = tpu.memref_slice %arg4[%add3A_576, %dma_start3A_580, %dma_start3A_581] : memref<4096x50x128xf32, #tpu.memory_space<hbm>> -> memref<2x50x128xf32, #tpu.memory_space<hbm>>
      tpu.enqueue_dma source(%arg6 : memref<2x50x128xf32, #tpu.memory_space<vmem>>) target(%dma_start3A_582 : memref<2x50x128xf32, #tpu.memory_space<hbm>>) target_semaphore(%arg22 : memref<!tpu.dma_semaphore, #tpu.memory_space<semaphore_mem>>)
      %mul3A_583 = arith.constant 8 : i32
      %mul3A_584 = arith.muli %mul3A_583, %add3A_393 : i32
      %add3A_585 = arith.constant 6 : i32
      %add3A_586 = arith.addi %add3A_585, %mul3A_584 : i32
      %add3A_587 = arith.constant 3 : i32
      %add3A_588 = arith.addi %add3A_586, %add3A_587 : i32
      %dma_wait3A_589 = arith.constant 0 : i32
      %dma_wait3A_590 = arith.constant 0 : i32
      %dma_wait3A_591 = arith.constant 0 : i32
      %dma_wait3A_592 = tpu.memref_slice %arg4[%dma_wait3A_589, %dma_wait3A_590, %dma_wait3A_591] : memref<4096x50x128xf32, #tpu.memory_space<hbm>> -> memref<2x50x128xf32, #tpu.memory_space<hbm>>
      %dma_wait3A_593 = arith.constant 0 : i32
      %dma_wait3A_594 = arith.constant 0 : i32
      %dma_wait3A_595 = arith.constant 0 : i32
      %dma_wait3A_596 = tpu.memref_slice %arg4[%dma_wait3A_593, %dma_wait3A_594, %dma_wait3A_595] : memref<4096x50x128xf32, #tpu.memory_space<hbm>> -> memref<2x50x128xf32, #tpu.memory_space<hbm>>
      tpu.wait_dma2 semaphore(%arg25 : memref<!tpu.dma_semaphore, #tpu.memory_space<semaphore_mem>>) src(%dma_wait3A_596 : memref<2x50x128xf32, #tpu.memory_space<hbm>>) dst(%arg9 : memref<2x50x128xf32, #tpu.memory_space<vmem>>)
      %add3A_597 = arith.constant 2 : i32
      %add3A_598 = arith.addi %add3A_588, %add3A_597 : i32
      %mul3A_599 = arith.constant 2 : i32
      %mul3A_600 = arith.muli %add3A_598, %mul3A_599 : i32
      %add3A_601 = arith.constant 0 : i32
      %add3A_602 = arith.addi %mul3A_600, %add3A_601 : i32
      %dma_start3A_603 = arith.constant 0 : i32
      %dma_start3A_604 = arith.constant 0 : i32
      %dma_start3A_605 = arith.constant 0 : i32
      %dma_start3A_606 = tpu.memref_slice %arg9[%dma_start3A_603, %dma_start3A_604, %dma_start3A_605] : memref<2x50x128xf32, #tpu.memory_space<vmem>> -> memref<1x50x128xf32, #tpu.memory_space<vmem>>
      %dma_start3A_607 = tpu.memref_squeeze %dma_start3A_606 : memref<1x50x128xf32, #tpu.memory_space<vmem>> -> memref<50x128xf32, #tpu.memory_space<vmem>>
      %dma_start3A_608 = arith.constant 0 : i32
      %dma_start3A_609 = tpu.memref_slice %arg5[%add3A_602, %dma_start3A_608] : memref<128x50xi32, #tpu.memory_space<vmem>> -> memref<1x50xi32, #tpu.memory_space<vmem>>
      %dma_start3A_610 = tpu.memref_squeeze %dma_start3A_609 : memref<1x50xi32, #tpu.memory_space<vmem>> -> memref<50xi32, #tpu.memory_space<vmem>>
      %dma_start3A_611 = arith.constant 0 : i32
      %dma_start3A_612 = arith.constant 0 : i32
      %dma_start3A_613 = tpu.memref_slice %arg2[%dma_start3A_611, %dma_start3A_612] : memref<100000x128xf32, #tpu.memory_space<hbm>> -> memref<100000x128xf32, #tpu.memory_space<hbm>>
      tpu.enqueue_indirect_dma source(%dma_start3A_613 : memref<100000x128xf32, #tpu.memory_space<hbm>>) target(%dma_start3A_607 : memref<50x128xf32, #tpu.memory_space<vmem>>) offsets(%dma_start3A_610 : memref<50xi32, #tpu.memory_space<vmem>>) semaphore(%arg17 : memref<!tpu.dma_semaphore, #tpu.memory_space<semaphore_mem>>)
      %mul3A_614 = arith.constant 2 : i32
      %mul3A_615 = arith.muli %add3A_598, %mul3A_614 : i32
      %add3A_616 = arith.constant 1 : i32
      %add3A_617 = arith.addi %mul3A_615, %add3A_616 : i32
      %dma_start3A_618 = arith.constant 1 : i32
      %dma_start3A_619 = arith.constant 0 : i32
      %dma_start3A_620 = arith.constant 0 : i32
      %dma_start3A_621 = tpu.memref_slice %arg9[%dma_start3A_618, %dma_start3A_619, %dma_start3A_620] : memref<2x50x128xf32, #tpu.memory_space<vmem>> -> memref<1x50x128xf32, #tpu.memory_space<vmem>>
      %dma_start3A_622 = tpu.memref_squeeze %dma_start3A_621 : memref<1x50x128xf32, #tpu.memory_space<vmem>> -> memref<50x128xf32, #tpu.memory_space<vmem>>
      %dma_start3A_623 = arith.constant 0 : i32
      %dma_start3A_624 = tpu.memref_slice %arg5[%add3A_617, %dma_start3A_623] : memref<128x50xi32, #tpu.memory_space<vmem>> -> memref<1x50xi32, #tpu.memory_space<vmem>>
      %dma_start3A_625 = tpu.memref_squeeze %dma_start3A_624 : memref<1x50xi32, #tpu.memory_space<vmem>> -> memref<50xi32, #tpu.memory_space<vmem>>
      %dma_start3A_626 = arith.constant 0 : i32
      %dma_start3A_627 = arith.constant 0 : i32
      %dma_start3A_628 = tpu.memref_slice %arg2[%dma_start3A_626, %dma_start3A_627] : memref<100000x128xf32, #tpu.memory_space<hbm>> -> memref<100000x128xf32, #tpu.memory_space<hbm>>
      tpu.enqueue_indirect_dma source(%dma_start3A_628 : memref<100000x128xf32, #tpu.memory_space<hbm>>) target(%dma_start3A_622 : memref<50x128xf32, #tpu.memory_space<vmem>>) offsets(%dma_start3A_625 : memref<50xi32, #tpu.memory_space<vmem>>) semaphore(%arg17 : memref<!tpu.dma_semaphore, #tpu.memory_space<semaphore_mem>>)
      %dma_wait3A_629 = arith.constant 0 : i32
      %dma_wait3A_630 = arith.constant 0 : i32
      %dma_wait3A_631 = arith.constant 0 : i32
      %dma_wait3A_632 = tpu.memref_slice %arg4[%dma_wait3A_629, %dma_wait3A_630, %dma_wait3A_631] : memref<4096x50x128xf32, #tpu.memory_space<hbm>> -> memref<2x50x128xf32, #tpu.memory_space<hbm>>
      %dma_wait3A_633 = arith.constant 0 : i32
      %dma_wait3A_634 = arith.constant 0 : i32
      %dma_wait3A_635 = arith.constant 0 : i32
      %dma_wait3A_636 = tpu.memref_slice %arg4[%dma_wait3A_633, %dma_wait3A_634, %dma_wait3A_635] : memref<4096x50x128xf32, #tpu.memory_space<hbm>> -> memref<2x50x128xf32, #tpu.memory_space<hbm>>
      tpu.wait_dma2 semaphore(%arg15 : memref<!tpu.dma_semaphore, #tpu.memory_space<semaphore_mem>>) src(%dma_wait3A_636 : memref<2x50x128xf32, #tpu.memory_space<hbm>>) dst(%arg7 : memref<2x50x128xf32, #tpu.memory_space<vmem>>)
      %mul3A_637 = arith.constant 2 : i32
      %mul3A_638 = arith.muli %add3A_588, %mul3A_637 : i32
      %add3A_639 = arith.addi %mul3A_2, %mul3A_638 : i32
      %dma_start3A_640 = arith.constant 0 : i32
      %dma_start3A_641 = arith.constant 0 : i32
      %dma_start3A_642 = tpu.memref_slice %arg4[%add3A_639, %dma_start3A_640, %dma_start3A_641] : memref<4096x50x128xf32, #tpu.memory_space<hbm>> -> memref<2x50x128xf32, #tpu.memory_space<hbm>>
      %dma_start3A_643 = arith.constant 0 : i32
      %dma_start3A_644 = arith.constant 0 : i32
      %dma_start3A_645 = tpu.memref_slice %arg4[%add3A_639, %dma_start3A_643, %dma_start3A_644] : memref<4096x50x128xf32, #tpu.memory_space<hbm>> -> memref<2x50x128xf32, #tpu.memory_space<hbm>>
      tpu.enqueue_dma source(%arg7 : memref<2x50x128xf32, #tpu.memory_space<vmem>>) target(%dma_start3A_645 : memref<2x50x128xf32, #tpu.memory_space<hbm>>) target_semaphore(%arg23 : memref<!tpu.dma_semaphore, #tpu.memory_space<semaphore_mem>>)
      %mul3A_646 = arith.constant 8 : i32
      %mul3A_647 = arith.muli %mul3A_646, %add3A_393 : i32
      %add3A_648 = arith.constant 6 : i32
      %add3A_649 = arith.addi %add3A_648, %mul3A_647 : i32
      %add3A_650 = arith.constant 4 : i32
      %add3A_651 = arith.addi %add3A_649, %add3A_650 : i32
      %dma_wait3A_652 = arith.constant 0 : i32
      %dma_wait3A_653 = arith.constant 0 : i32
      %dma_wait3A_654 = arith.constant 0 : i32
      %dma_wait3A_655 = tpu.memref_slice %arg4[%dma_wait3A_652, %dma_wait3A_653, %dma_wait3A_654] : memref<4096x50x128xf32, #tpu.memory_space<hbm>> -> memref<2x50x128xf32, #tpu.memory_space<hbm>>
      %dma_wait3A_656 = arith.constant 0 : i32
      %dma_wait3A_657 = arith.constant 0 : i32
      %dma_wait3A_658 = arith.constant 0 : i32
      %dma_wait3A_659 = tpu.memref_slice %arg4[%dma_wait3A_656, %dma_wait3A_657, %dma_wait3A_658] : memref<4096x50x128xf32, #tpu.memory_space<hbm>> -> memref<2x50x128xf32, #tpu.memory_space<hbm>>
      tpu.wait_dma2 semaphore(%arg26 : memref<!tpu.dma_semaphore, #tpu.memory_space<semaphore_mem>>) src(%dma_wait3A_659 : memref<2x50x128xf32, #tpu.memory_space<hbm>>) dst(%arg10 : memref<2x50x128xf32, #tpu.memory_space<vmem>>)
      %add3A_660 = arith.constant 2 : i32
      %add3A_661 = arith.addi %add3A_651, %add3A_660 : i32
      %mul3A_662 = arith.constant 2 : i32
      %mul3A_663 = arith.muli %add3A_661, %mul3A_662 : i32
      %add3A_664 = arith.constant 0 : i32
      %add3A_665 = arith.addi %mul3A_663, %add3A_664 : i32
      %dma_start3A_666 = arith.constant 0 : i32
      %dma_start3A_667 = arith.constant 0 : i32
      %dma_start3A_668 = arith.constant 0 : i32
      %dma_start3A_669 = tpu.memref_slice %arg10[%dma_start3A_666, %dma_start3A_667, %dma_start3A_668] : memref<2x50x128xf32, #tpu.memory_space<vmem>> -> memref<1x50x128xf32, #tpu.memory_space<vmem>>
      %dma_start3A_670 = tpu.memref_squeeze %dma_start3A_669 : memref<1x50x128xf32, #tpu.memory_space<vmem>> -> memref<50x128xf32, #tpu.memory_space<vmem>>
      %dma_start3A_671 = arith.constant 0 : i32
      %dma_start3A_672 = tpu.memref_slice %arg5[%add3A_665, %dma_start3A_671] : memref<128x50xi32, #tpu.memory_space<vmem>> -> memref<1x50xi32, #tpu.memory_space<vmem>>
      %dma_start3A_673 = tpu.memref_squeeze %dma_start3A_672 : memref<1x50xi32, #tpu.memory_space<vmem>> -> memref<50xi32, #tpu.memory_space<vmem>>
      %dma_start3A_674 = arith.constant 0 : i32
      %dma_start3A_675 = arith.constant 0 : i32
      %dma_start3A_676 = tpu.memref_slice %arg2[%dma_start3A_674, %dma_start3A_675] : memref<100000x128xf32, #tpu.memory_space<hbm>> -> memref<100000x128xf32, #tpu.memory_space<hbm>>
      tpu.enqueue_indirect_dma source(%dma_start3A_676 : memref<100000x128xf32, #tpu.memory_space<hbm>>) target(%dma_start3A_670 : memref<50x128xf32, #tpu.memory_space<vmem>>) offsets(%dma_start3A_673 : memref<50xi32, #tpu.memory_space<vmem>>) semaphore(%arg18 : memref<!tpu.dma_semaphore, #tpu.memory_space<semaphore_mem>>)
      %mul3A_677 = arith.constant 2 : i32
      %mul3A_678 = arith.muli %add3A_661, %mul3A_677 : i32
      %add3A_679 = arith.constant 1 : i32
      %add3A_680 = arith.addi %mul3A_678, %add3A_679 : i32
      %dma_start3A_681 = arith.constant 1 : i32
      %dma_start3A_682 = arith.constant 0 : i32
      %dma_start3A_683 = arith.constant 0 : i32
      %dma_start3A_684 = tpu.memref_slice %arg10[%dma_start3A_681, %dma_start3A_682, %dma_start3A_683] : memref<2x50x128xf32, #tpu.memory_space<vmem>> -> memref<1x50x128xf32, #tpu.memory_space<vmem>>
      %dma_start3A_685 = tpu.memref_squeeze %dma_start3A_684 : memref<1x50x128xf32, #tpu.memory_space<vmem>> -> memref<50x128xf32, #tpu.memory_space<vmem>>
      %dma_start3A_686 = arith.constant 0 : i32
      %dma_start3A_687 = tpu.memref_slice %arg5[%add3A_680, %dma_start3A_686] : memref<128x50xi32, #tpu.memory_space<vmem>> -> memref<1x50xi32, #tpu.memory_space<vmem>>
      %dma_start3A_688 = tpu.memref_squeeze %dma_start3A_687 : memref<1x50xi32, #tpu.memory_space<vmem>> -> memref<50xi32, #tpu.memory_space<vmem>>
      %dma_start3A_689 = arith.constant 0 : i32
      %dma_start3A_690 = arith.constant 0 : i32
      %dma_start3A_691 = tpu.memref_slice %arg2[%dma_start3A_689, %dma_start3A_690] : memref<100000x128xf32, #tpu.memory_space<hbm>> -> memref<100000x128xf32, #tpu.memory_space<hbm>>
      tpu.enqueue_indirect_dma source(%dma_start3A_691 : memref<100000x128xf32, #tpu.memory_space<hbm>>) target(%dma_start3A_685 : memref<50x128xf32, #tpu.memory_space<vmem>>) offsets(%dma_start3A_688 : memref<50xi32, #tpu.memory_space<vmem>>) semaphore(%arg18 : memref<!tpu.dma_semaphore, #tpu.memory_space<semaphore_mem>>)
      %dma_wait3A_692 = arith.constant 0 : i32
      %dma_wait3A_693 = arith.constant 0 : i32
      %dma_wait3A_694 = arith.constant 0 : i32
      %dma_wait3A_695 = tpu.memref_slice %arg4[%dma_wait3A_692, %dma_wait3A_693, %dma_wait3A_694] : memref<4096x50x128xf32, #tpu.memory_space<hbm>> -> memref<2x50x128xf32, #tpu.memory_space<hbm>>
      %dma_wait3A_696 = arith.constant 0 : i32
      %dma_wait3A_697 = arith.constant 0 : i32
      %dma_wait3A_698 = arith.constant 0 : i32
      %dma_wait3A_699 = tpu.memref_slice %arg4[%dma_wait3A_696, %dma_wait3A_697, %dma_wait3A_698] : memref<4096x50x128xf32, #tpu.memory_space<hbm>> -> memref<2x50x128xf32, #tpu.memory_space<hbm>>
      tpu.wait_dma2 semaphore(%arg16 : memref<!tpu.dma_semaphore, #tpu.memory_space<semaphore_mem>>) src(%dma_wait3A_699 : memref<2x50x128xf32, #tpu.memory_space<hbm>>) dst(%arg8 : memref<2x50x128xf32, #tpu.memory_space<vmem>>)
      %mul3A_700 = arith.constant 2 : i32
      %mul3A_701 = arith.muli %add3A_651, %mul3A_700 : i32
      %add3A_702 = arith.addi %mul3A_2, %mul3A_701 : i32
      %dma_start3A_703 = arith.constant 0 : i32
      %dma_start3A_704 = arith.constant 0 : i32
      %dma_start3A_705 = tpu.memref_slice %arg4[%add3A_702, %dma_start3A_703, %dma_start3A_704] : memref<4096x50x128xf32, #tpu.memory_space<hbm>> -> memref<2x50x128xf32, #tpu.memory_space<hbm>>
      %dma_start3A_706 = arith.constant 0 : i32
      %dma_start3A_707 = arith.constant 0 : i32
      %dma_start3A_708 = tpu.memref_slice %arg4[%add3A_702, %dma_start3A_706, %dma_start3A_707] : memref<4096x50x128xf32, #tpu.memory_space<hbm>> -> memref<2x50x128xf32, #tpu.memory_space<hbm>>
      tpu.enqueue_dma source(%arg8 : memref<2x50x128xf32, #tpu.memory_space<vmem>>) target(%dma_start3A_708 : memref<2x50x128xf32, #tpu.memory_space<hbm>>) target_semaphore(%arg24 : memref<!tpu.dma_semaphore, #tpu.memory_space<semaphore_mem>>)
      %mul3A_709 = arith.constant 8 : i32
      %mul3A_710 = arith.muli %mul3A_709, %add3A_393 : i32
      %add3A_711 = arith.constant 6 : i32
      %add3A_712 = arith.addi %add3A_711, %mul3A_710 : i32
      %add3A_713 = arith.constant 5 : i32
      %add3A_714 = arith.addi %add3A_712, %add3A_713 : i32
      %dma_wait3A_715 = arith.constant 0 : i32
      %dma_wait3A_716 = arith.constant 0 : i32
      %dma_wait3A_717 = arith.constant 0 : i32
      %dma_wait3A_718 = tpu.memref_slice %arg4[%dma_wait3A_715, %dma_wait3A_716, %dma_wait3A_717] : memref<4096x50x128xf32, #tpu.memory_space<hbm>> -> memref<2x50x128xf32, #tpu.memory_space<hbm>>
      %dma_wait3A_719 = arith.constant 0 : i32
      %dma_wait3A_720 = arith.constant 0 : i32
      %dma_wait3A_721 = arith.constant 0 : i32
      %dma_wait3A_722 = tpu.memref_slice %arg4[%dma_wait3A_719, %dma_wait3A_720, %dma_wait3A_721] : memref<4096x50x128xf32, #tpu.memory_space<hbm>> -> memref<2x50x128xf32, #tpu.memory_space<hbm>>
      tpu.wait_dma2 semaphore(%arg27 : memref<!tpu.dma_semaphore, #tpu.memory_space<semaphore_mem>>) src(%dma_wait3A_722 : memref<2x50x128xf32, #tpu.memory_space<hbm>>) dst(%arg11 : memref<2x50x128xf32, #tpu.memory_space<vmem>>)
      %add3A_723 = arith.constant 2 : i32
      %add3A_724 = arith.addi %add3A_714, %add3A_723 : i32
      %mul3A_725 = arith.constant 2 : i32
      %mul3A_726 = arith.muli %add3A_724, %mul3A_725 : i32
      %add3A_727 = arith.constant 0 : i32
      %add3A_728 = arith.addi %mul3A_726, %add3A_727 : i32
      %dma_start3A_729 = arith.constant 0 : i32
      %dma_start3A_730 = arith.constant 0 : i32
      %dma_start3A_731 = arith.constant 0 : i32
      %dma_start3A_732 = tpu.memref_slice %arg11[%dma_start3A_729, %dma_start3A_730, %dma_start3A_731] : memref<2x50x128xf32, #tpu.memory_space<vmem>> -> memref<1x50x128xf32, #tpu.memory_space<vmem>>
      %dma_start3A_733 = tpu.memref_squeeze %dma_start3A_732 : memref<1x50x128xf32, #tpu.memory_space<vmem>> -> memref<50x128xf32, #tpu.memory_space<vmem>>
      %dma_start3A_734 = arith.constant 0 : i32
      %dma_start3A_735 = tpu.memref_slice %arg5[%add3A_728, %dma_start3A_734] : memref<128x50xi32, #tpu.memory_space<vmem>> -> memref<1x50xi32, #tpu.memory_space<vmem>>
      %dma_start3A_736 = tpu.memref_squeeze %dma_start3A_735 : memref<1x50xi32, #tpu.memory_space<vmem>> -> memref<50xi32, #tpu.memory_space<vmem>>
      %dma_start3A_737 = arith.constant 0 : i32
      %dma_start3A_738 = arith.constant 0 : i32
      %dma_start3A_739 = tpu.memref_slice %arg2[%dma_start3A_737, %dma_start3A_738] : memref<100000x128xf32, #tpu.memory_space<hbm>> -> memref<100000x128xf32, #tpu.memory_space<hbm>>
      tpu.enqueue_indirect_dma source(%dma_start3A_739 : memref<100000x128xf32, #tpu.memory_space<hbm>>) target(%dma_start3A_733 : memref<50x128xf32, #tpu.memory_space<vmem>>) offsets(%dma_start3A_736 : memref<50xi32, #tpu.memory_space<vmem>>) semaphore(%arg19 : memref<!tpu.dma_semaphore, #tpu.memory_space<semaphore_mem>>)
      %mul3A_740 = arith.constant 2 : i32
      %mul3A_741 = arith.muli %add3A_724, %mul3A_740 : i32
      %add3A_742 = arith.constant 1 : i32
      %add3A_743 = arith.addi %mul3A_741, %add3A_742 : i32
      %dma_start3A_744 = arith.constant 1 : i32
      %dma_start3A_745 = arith.constant 0 : i32
      %dma_start3A_746 = arith.constant 0 : i32
      %dma_start3A_747 = tpu.memref_slice %arg11[%dma_start3A_744, %dma_start3A_745, %dma_start3A_746] : memref<2x50x128xf32, #tpu.memory_space<vmem>> -> memref<1x50x128xf32, #tpu.memory_space<vmem>>
      %dma_start3A_748 = tpu.memref_squeeze %dma_start3A_747 : memref<1x50x128xf32, #tpu.memory_space<vmem>> -> memref<50x128xf32, #tpu.memory_space<vmem>>
      %dma_start3A_749 = arith.constant 0 : i32
      %dma_start3A_750 = tpu.memref_slice %arg5[%add3A_743, %dma_start3A_749] : memref<128x50xi32, #tpu.memory_space<vmem>> -> memref<1x50xi32, #tpu.memory_space<vmem>>
      %dma_start3A_751 = tpu.memref_squeeze %dma_start3A_750 : memref<1x50xi32, #tpu.memory_space<vmem>> -> memref<50xi32, #tpu.memory_space<vmem>>
      %dma_start3A_752 = arith.constant 0 : i32
      %dma_start3A_753 = arith.constant 0 : i32
      %dma_start3A_754 = tpu.memref_slice %arg2[%dma_start3A_752, %dma_start3A_753] : memref<100000x128xf32, #tpu.memory_space<hbm>> -> memref<100000x128xf32, #tpu.memory_space<hbm>>
      tpu.enqueue_indirect_dma source(%dma_start3A_754 : memref<100000x128xf32, #tpu.memory_space<hbm>>) target(%dma_start3A_748 : memref<50x128xf32, #tpu.memory_space<vmem>>) offsets(%dma_start3A_751 : memref<50xi32, #tpu.memory_space<vmem>>) semaphore(%arg19 : memref<!tpu.dma_semaphore, #tpu.memory_space<semaphore_mem>>)
      %dma_wait3A_755 = arith.constant 0 : i32
      %dma_wait3A_756 = arith.constant 0 : i32
      %dma_wait3A_757 = arith.constant 0 : i32
      %dma_wait3A_758 = tpu.memref_slice %arg4[%dma_wait3A_755, %dma_wait3A_756, %dma_wait3A_757] : memref<4096x50x128xf32, #tpu.memory_space<hbm>> -> memref<2x50x128xf32, #tpu.memory_space<hbm>>
      %dma_wait3A_759 = arith.constant 0 : i32
      %dma_wait3A_760 = arith.constant 0 : i32
      %dma_wait3A_761 = arith.constant 0 : i32
      %dma_wait3A_762 = tpu.memref_slice %arg4[%dma_wait3A_759, %dma_wait3A_760, %dma_wait3A_761] : memref<4096x50x128xf32, #tpu.memory_space<hbm>> -> memref<2x50x128xf32, #tpu.memory_space<hbm>>
      tpu.wait_dma2 semaphore(%arg17 : memref<!tpu.dma_semaphore, #tpu.memory_space<semaphore_mem>>) src(%dma_wait3A_762 : memref<2x50x128xf32, #tpu.memory_space<hbm>>) dst(%arg9 : memref<2x50x128xf32, #tpu.memory_space<vmem>>)
      %mul3A_763 = arith.constant 2 : i32
      %mul3A_764 = arith.muli %add3A_714, %mul3A_763 : i32
      %add3A_765 = arith.addi %mul3A_2, %mul3A_764 : i32
      %dma_start3A_766 = arith.constant 0 : i32
      %dma_start3A_767 = arith.constant 0 : i32
      %dma_start3A_768 = tpu.memref_slice %arg4[%add3A_765, %dma_start3A_766, %dma_start3A_767] : memref<4096x50x128xf32, #tpu.memory_space<hbm>> -> memref<2x50x128xf32, #tpu.memory_space<hbm>>
      %dma_start3A_769 = arith.constant 0 : i32
      %dma_start3A_770 = arith.constant 0 : i32
      %dma_start3A_771 = tpu.memref_slice %arg4[%add3A_765, %dma_start3A_769, %dma_start3A_770] : memref<4096x50x128xf32, #tpu.memory_space<hbm>> -> memref<2x50x128xf32, #tpu.memory_space<hbm>>
      tpu.enqueue_dma source(%arg9 : memref<2x50x128xf32, #tpu.memory_space<vmem>>) target(%dma_start3A_771 : memref<2x50x128xf32, #tpu.memory_space<hbm>>) target_semaphore(%arg25 : memref<!tpu.dma_semaphore, #tpu.memory_space<semaphore_mem>>)
      %mul3A_772 = arith.constant 8 : i32
      %mul3A_773 = arith.muli %mul3A_772, %add3A_393 : i32
      %add3A_774 = arith.constant 6 : i32
      %add3A_775 = arith.addi %add3A_774, %mul3A_773 : i32
      %add3A_776 = arith.constant 6 : i32
      %add3A_777 = arith.addi %add3A_775, %add3A_776 : i32
      %dma_wait3A_778 = arith.constant 0 : i32
      %dma_wait3A_779 = arith.constant 0 : i32
      %dma_wait3A_780 = arith.constant 0 : i32
      %dma_wait3A_781 = tpu.memref_slice %arg4[%dma_wait3A_778, %dma_wait3A_779, %dma_wait3A_780] : memref<4096x50x128xf32, #tpu.memory_space<hbm>> -> memref<2x50x128xf32, #tpu.memory_space<hbm>>
      %dma_wait3A_782 = arith.constant 0 : i32
      %dma_wait3A_783 = arith.constant 0 : i32
      %dma_wait3A_784 = arith.constant 0 : i32
      %dma_wait3A_785 = tpu.memref_slice %arg4[%dma_wait3A_782, %dma_wait3A_783, %dma_wait3A_784] : memref<4096x50x128xf32, #tpu.memory_space<hbm>> -> memref<2x50x128xf32, #tpu.memory_space<hbm>>
      tpu.wait_dma2 semaphore(%arg28 : memref<!tpu.dma_semaphore, #tpu.memory_space<semaphore_mem>>) src(%dma_wait3A_785 : memref<2x50x128xf32, #tpu.memory_space<hbm>>) dst(%arg12 : memref<2x50x128xf32, #tpu.memory_space<vmem>>)
      %add3A_786 = arith.constant 2 : i32
      %add3A_787 = arith.addi %add3A_777, %add3A_786 : i32
      %mul3A_788 = arith.constant 2 : i32
      %mul3A_789 = arith.muli %add3A_787, %mul3A_788 : i32
      %add3A_790 = arith.constant 0 : i32
      %add3A_791 = arith.addi %mul3A_789, %add3A_790 : i32
      %dma_start3A_792 = arith.constant 0 : i32
      %dma_start3A_793 = arith.constant 0 : i32
      %dma_start3A_794 = arith.constant 0 : i32
      %dma_start3A_795 = tpu.memref_slice %arg12[%dma_start3A_792, %dma_start3A_793, %dma_start3A_794] : memref<2x50x128xf32, #tpu.memory_space<vmem>> -> memref<1x50x128xf32, #tpu.memory_space<vmem>>
      %dma_start3A_796 = tpu.memref_squeeze %dma_start3A_795 : memref<1x50x128xf32, #tpu.memory_space<vmem>> -> memref<50x128xf32, #tpu.memory_space<vmem>>
      %dma_start3A_797 = arith.constant 0 : i32
      %dma_start3A_798 = tpu.memref_slice %arg5[%add3A_791, %dma_start3A_797] : memref<128x50xi32, #tpu.memory_space<vmem>> -> memref<1x50xi32, #tpu.memory_space<vmem>>
      %dma_start3A_799 = tpu.memref_squeeze %dma_start3A_798 : memref<1x50xi32, #tpu.memory_space<vmem>> -> memref<50xi32, #tpu.memory_space<vmem>>
      %dma_start3A_800 = arith.constant 0 : i32
      %dma_start3A_801 = arith.constant 0 : i32
      %dma_start3A_802 = tpu.memref_slice %arg2[%dma_start3A_800, %dma_start3A_801] : memref<100000x128xf32, #tpu.memory_space<hbm>> -> memref<100000x128xf32, #tpu.memory_space<hbm>>
      tpu.enqueue_indirect_dma source(%dma_start3A_802 : memref<100000x128xf32, #tpu.memory_space<hbm>>) target(%dma_start3A_796 : memref<50x128xf32, #tpu.memory_space<vmem>>) offsets(%dma_start3A_799 : memref<50xi32, #tpu.memory_space<vmem>>) semaphore(%arg20 : memref<!tpu.dma_semaphore, #tpu.memory_space<semaphore_mem>>)
      %mul3A_803 = arith.constant 2 : i32
      %mul3A_804 = arith.muli %add3A_787, %mul3A_803 : i32
      %add3A_805 = arith.constant 1 : i32
      %add3A_806 = arith.addi %mul3A_804, %add3A_805 : i32
      %dma_start3A_807 = arith.constant 1 : i32
      %dma_start3A_808 = arith.constant 0 : i32
      %dma_start3A_809 = arith.constant 0 : i32
      %dma_start3A_810 = tpu.memref_slice %arg12[%dma_start3A_807, %dma_start3A_808, %dma_start3A_809] : memref<2x50x128xf32, #tpu.memory_space<vmem>> -> memref<1x50x128xf32, #tpu.memory_space<vmem>>
      %dma_start3A_811 = tpu.memref_squeeze %dma_start3A_810 : memref<1x50x128xf32, #tpu.memory_space<vmem>> -> memref<50x128xf32, #tpu.memory_space<vmem>>
      %dma_start3A_812 = arith.constant 0 : i32
      %dma_start3A_813 = tpu.memref_slice %arg5[%add3A_806, %dma_start3A_812] : memref<128x50xi32, #tpu.memory_space<vmem>> -> memref<1x50xi32, #tpu.memory_space<vmem>>
      %dma_start3A_814 = tpu.memref_squeeze %dma_start3A_813 : memref<1x50xi32, #tpu.memory_space<vmem>> -> memref<50xi32, #tpu.memory_space<vmem>>
      %dma_start3A_815 = arith.constant 0 : i32
      %dma_start3A_816 = arith.constant 0 : i32
      %dma_start3A_817 = tpu.memref_slice %arg2[%dma_start3A_815, %dma_start3A_816] : memref<100000x128xf32, #tpu.memory_space<hbm>> -> memref<100000x128xf32, #tpu.memory_space<hbm>>
      tpu.enqueue_indirect_dma source(%dma_start3A_817 : memref<100000x128xf32, #tpu.memory_space<hbm>>) target(%dma_start3A_811 : memref<50x128xf32, #tpu.memory_space<vmem>>) offsets(%dma_start3A_814 : memref<50xi32, #tpu.memory_space<vmem>>) semaphore(%arg20 : memref<!tpu.dma_semaphore, #tpu.memory_space<semaphore_mem>>)
      %dma_wait3A_818 = arith.constant 0 : i32
      %dma_wait3A_819 = arith.constant 0 : i32
      %dma_wait3A_820 = arith.constant 0 : i32
      %dma_wait3A_821 = tpu.memref_slice %arg4[%dma_wait3A_818, %dma_wait3A_819, %dma_wait3A_820] : memref<4096x50x128xf32, #tpu.memory_space<hbm>> -> memref<2x50x128xf32, #tpu.memory_space<hbm>>
      %dma_wait3A_822 = arith.constant 0 : i32
      %dma_wait3A_823 = arith.constant 0 : i32
      %dma_wait3A_824 = arith.constant 0 : i32
      %dma_wait3A_825 = tpu.memref_slice %arg4[%dma_wait3A_822, %dma_wait3A_823, %dma_wait3A_824] : memref<4096x50x128xf32, #tpu.memory_space<hbm>> -> memref<2x50x128xf32, #tpu.memory_space<hbm>>
      tpu.wait_dma2 semaphore(%arg18 : memref<!tpu.dma_semaphore, #tpu.memory_space<semaphore_mem>>) src(%dma_wait3A_825 : memref<2x50x128xf32, #tpu.memory_space<hbm>>) dst(%arg10 : memref<2x50x128xf32, #tpu.memory_space<vmem>>)
      %mul3A_826 = arith.constant 2 : i32
      %mul3A_827 = arith.muli %add3A_777, %mul3A_826 : i32
      %add3A_828 = arith.addi %mul3A_2, %mul3A_827 : i32
      %dma_start3A_829 = arith.constant 0 : i32
      %dma_start3A_830 = arith.constant 0 : i32
      %dma_start3A_831 = tpu.memref_slice %arg4[%add3A_828, %dma_start3A_829, %dma_start3A_830] : memref<4096x50x128xf32, #tpu.memory_space<hbm>> -> memref<2x50x128xf32, #tpu.memory_space<hbm>>
      %dma_start3A_832 = arith.constant 0 : i32
      %dma_start3A_833 = arith.constant 0 : i32
      %dma_start3A_834 = tpu.memref_slice %arg4[%add3A_828, %dma_start3A_832, %dma_start3A_833] : memref<4096x50x128xf32, #tpu.memory_space<hbm>> -> memref<2x50x128xf32, #tpu.memory_space<hbm>>
      tpu.enqueue_dma source(%arg10 : memref<2x50x128xf32, #tpu.memory_space<vmem>>) target(%dma_start3A_834 : memref<2x50x128xf32, #tpu.memory_space<hbm>>) target_semaphore(%arg26 : memref<!tpu.dma_semaphore, #tpu.memory_space<semaphore_mem>>)
      %mul3A_835 = arith.constant 8 : i32
      %mul3A_836 = arith.muli %mul3A_835, %add3A_393 : i32
      %add3A_837 = arith.constant 6 : i32
      %add3A_838 = arith.addi %add3A_837, %mul3A_836 : i32
      %add3A_839 = arith.constant 7 : i32
      %add3A_840 = arith.addi %add3A_838, %add3A_839 : i32
      %dma_wait3A_841 = arith.constant 0 : i32
      %dma_wait3A_842 = arith.constant 0 : i32
      %dma_wait3A_843 = arith.constant 0 : i32
      %dma_wait3A_844 = tpu.memref_slice %arg4[%dma_wait3A_841, %dma_wait3A_842, %dma_wait3A_843] : memref<4096x50x128xf32, #tpu.memory_space<hbm>> -> memref<2x50x128xf32, #tpu.memory_space<hbm>>
      %dma_wait3A_845 = arith.constant 0 : i32
      %dma_wait3A_846 = arith.constant 0 : i32
      %dma_wait3A_847 = arith.constant 0 : i32
      %dma_wait3A_848 = tpu.memref_slice %arg4[%dma_wait3A_845, %dma_wait3A_846, %dma_wait3A_847] : memref<4096x50x128xf32, #tpu.memory_space<hbm>> -> memref<2x50x128xf32, #tpu.memory_space<hbm>>
      tpu.wait_dma2 semaphore(%arg29 : memref<!tpu.dma_semaphore, #tpu.memory_space<semaphore_mem>>) src(%dma_wait3A_848 : memref<2x50x128xf32, #tpu.memory_space<hbm>>) dst(%arg13 : memref<2x50x128xf32, #tpu.memory_space<vmem>>)
      %add3A_849 = arith.constant 2 : i32
      %add3A_850 = arith.addi %add3A_840, %add3A_849 : i32
      %mul3A_851 = arith.constant 2 : i32
      %mul3A_852 = arith.muli %add3A_850, %mul3A_851 : i32
      %add3A_853 = arith.constant 0 : i32
      %add3A_854 = arith.addi %mul3A_852, %add3A_853 : i32
      %dma_start3A_855 = arith.constant 0 : i32
      %dma_start3A_856 = arith.constant 0 : i32
      %dma_start3A_857 = arith.constant 0 : i32
      %dma_start3A_858 = tpu.memref_slice %arg13[%dma_start3A_855, %dma_start3A_856, %dma_start3A_857] : memref<2x50x128xf32, #tpu.memory_space<vmem>> -> memref<1x50x128xf32, #tpu.memory_space<vmem>>
      %dma_start3A_859 = tpu.memref_squeeze %dma_start3A_858 : memref<1x50x128xf32, #tpu.memory_space<vmem>> -> memref<50x128xf32, #tpu.memory_space<vmem>>
      %dma_start3A_860 = arith.constant 0 : i32
      %dma_start3A_861 = tpu.memref_slice %arg5[%add3A_854, %dma_start3A_860] : memref<128x50xi32, #tpu.memory_space<vmem>> -> memref<1x50xi32, #tpu.memory_space<vmem>>
      %dma_start3A_862 = tpu.memref_squeeze %dma_start3A_861 : memref<1x50xi32, #tpu.memory_space<vmem>> -> memref<50xi32, #tpu.memory_space<vmem>>
      %dma_start3A_863 = arith.constant 0 : i32
      %dma_start3A_864 = arith.constant 0 : i32
      %dma_start3A_865 = tpu.memref_slice %arg2[%dma_start3A_863, %dma_start3A_864] : memref<100000x128xf32, #tpu.memory_space<hbm>> -> memref<100000x128xf32, #tpu.memory_space<hbm>>
      tpu.enqueue_indirect_dma source(%dma_start3A_865 : memref<100000x128xf32, #tpu.memory_space<hbm>>) target(%dma_start3A_859 : memref<50x128xf32, #tpu.memory_space<vmem>>) offsets(%dma_start3A_862 : memref<50xi32, #tpu.memory_space<vmem>>) semaphore(%arg21 : memref<!tpu.dma_semaphore, #tpu.memory_space<semaphore_mem>>)
      %mul3A_866 = arith.constant 2 : i32
      %mul3A_867 = arith.muli %add3A_850, %mul3A_866 : i32
      %add3A_868 = arith.constant 1 : i32
      %add3A_869 = arith.addi %mul3A_867, %add3A_868 : i32
      %dma_start3A_870 = arith.constant 1 : i32
      %dma_start3A_871 = arith.constant 0 : i32
      %dma_start3A_872 = arith.constant 0 : i32
      %dma_start3A_873 = tpu.memref_slice %arg13[%dma_start3A_870, %dma_start3A_871, %dma_start3A_872] : memref<2x50x128xf32, #tpu.memory_space<vmem>> -> memref<1x50x128xf32, #tpu.memory_space<vmem>>
      %dma_start3A_874 = tpu.memref_squeeze %dma_start3A_873 : memref<1x50x128xf32, #tpu.memory_space<vmem>> -> memref<50x128xf32, #tpu.memory_space<vmem>>
      %dma_start3A_875 = arith.constant 0 : i32
      %dma_start3A_876 = tpu.memref_slice %arg5[%add3A_869, %dma_start3A_875] : memref<128x50xi32, #tpu.memory_space<vmem>> -> memref<1x50xi32, #tpu.memory_space<vmem>>
      %dma_start3A_877 = tpu.memref_squeeze %dma_start3A_876 : memref<1x50xi32, #tpu.memory_space<vmem>> -> memref<50xi32, #tpu.memory_space<vmem>>
      %dma_start3A_878 = arith.constant 0 : i32
      %dma_start3A_879 = arith.constant 0 : i32
      %dma_start3A_880 = tpu.memref_slice %arg2[%dma_start3A_878, %dma_start3A_879] : memref<100000x128xf32, #tpu.memory_space<hbm>> -> memref<100000x128xf32, #tpu.memory_space<hbm>>
      tpu.enqueue_indirect_dma source(%dma_start3A_880 : memref<100000x128xf32, #tpu.memory_space<hbm>>) target(%dma_start3A_874 : memref<50x128xf32, #tpu.memory_space<vmem>>) offsets(%dma_start3A_877 : memref<50xi32, #tpu.memory_space<vmem>>) semaphore(%arg21 : memref<!tpu.dma_semaphore, #tpu.memory_space<semaphore_mem>>)
      %dma_wait3A_881 = arith.constant 0 : i32
      %dma_wait3A_882 = arith.constant 0 : i32
      %dma_wait3A_883 = arith.constant 0 : i32
      %dma_wait3A_884 = tpu.memref_slice %arg4[%dma_wait3A_881, %dma_wait3A_882, %dma_wait3A_883] : memref<4096x50x128xf32, #tpu.memory_space<hbm>> -> memref<2x50x128xf32, #tpu.memory_space<hbm>>
      %dma_wait3A_885 = arith.constant 0 : i32
      %dma_wait3A_886 = arith.constant 0 : i32
      %dma_wait3A_887 = arith.constant 0 : i32
      %dma_wait3A_888 = tpu.memref_slice %arg4[%dma_wait3A_885, %dma_wait3A_886, %dma_wait3A_887] : memref<4096x50x128xf32, #tpu.memory_space<hbm>> -> memref<2x50x128xf32, #tpu.memory_space<hbm>>
      tpu.wait_dma2 semaphore(%arg19 : memref<!tpu.dma_semaphore, #tpu.memory_space<semaphore_mem>>) src(%dma_wait3A_888 : memref<2x50x128xf32, #tpu.memory_space<hbm>>) dst(%arg11 : memref<2x50x128xf32, #tpu.memory_space<vmem>>)
      %mul3A_889 = arith.constant 2 : i32
      %mul3A_890 = arith.muli %add3A_840, %mul3A_889 : i32
      %add3A_891 = arith.addi %mul3A_2, %mul3A_890 : i32
      %dma_start3A_892 = arith.constant 0 : i32
      %dma_start3A_893 = arith.constant 0 : i32
      %dma_start3A_894 = tpu.memref_slice %arg4[%add3A_891, %dma_start3A_892, %dma_start3A_893] : memref<4096x50x128xf32, #tpu.memory_space<hbm>> -> memref<2x50x128xf32, #tpu.memory_space<hbm>>
      %dma_start3A_895 = arith.constant 0 : i32
      %dma_start3A_896 = arith.constant 0 : i32
      %dma_start3A_897 = tpu.memref_slice %arg4[%add3A_891, %dma_start3A_895, %dma_start3A_896] : memref<4096x50x128xf32, #tpu.memory_space<hbm>> -> memref<2x50x128xf32, #tpu.memory_space<hbm>>
      tpu.enqueue_dma source(%arg11 : memref<2x50x128xf32, #tpu.memory_space<vmem>>) target(%dma_start3A_897 : memref<2x50x128xf32, #tpu.memory_space<hbm>>) target_semaphore(%arg27 : memref<!tpu.dma_semaphore, #tpu.memory_space<semaphore_mem>>)
    }
    %scan3A_292 = arith.constant 7 : i32
    %dma_wait3A_293 = arith.constant 0 : i32
    %dma_wait3A_294 = arith.constant 0 : i32
    %dma_wait3A_295 = arith.constant 0 : i32
    %dma_wait3A_296 = tpu.memref_slice %arg4[%dma_wait3A_293, %dma_wait3A_294, %dma_wait3A_295] : memref<4096x50x128xf32, #tpu.memory_space<hbm>> -> memref<2x50x128xf32, #tpu.memory_space<hbm>>
    %dma_wait3A_297 = arith.constant 0 : i32
    %dma_wait3A_298 = arith.constant 0 : i32
    %dma_wait3A_299 = arith.constant 0 : i32
    %dma_wait3A_300 = tpu.memref_slice %arg4[%dma_wait3A_297, %dma_wait3A_298, %dma_wait3A_299] : memref<4096x50x128xf32, #tpu.memory_space<hbm>> -> memref<2x50x128xf32, #tpu.memory_space<hbm>>
    tpu.wait_dma2 semaphore(%arg20 : memref<!tpu.dma_semaphore, #tpu.memory_space<semaphore_mem>>) src(%dma_wait3A_300 : memref<2x50x128xf32, #tpu.memory_space<hbm>>) dst(%arg12 : memref<2x50x128xf32, #tpu.memory_space<vmem>>)
    %add3A_301 = arith.constant 124 : i32
    %add3A_302 = arith.addi %mul3A_2, %add3A_301 : i32
    %dma_start3A_303 = arith.constant 0 : i32
    %dma_start3A_304 = arith.constant 0 : i32
    %dma_start3A_305 = tpu.memref_slice %arg4[%add3A_302, %dma_start3A_303, %dma_start3A_304] : memref<4096x50x128xf32, #tpu.memory_space<hbm>> -> memref<2x50x128xf32, #tpu.memory_space<hbm>>
    %dma_start3A_306 = arith.constant 0 : i32
    %dma_start3A_307 = arith.constant 0 : i32
    %dma_start3A_308 = tpu.memref_slice %arg4[%add3A_302, %dma_start3A_306, %dma_start3A_307] : memref<4096x50x128xf32, #tpu.memory_space<hbm>> -> memref<2x50x128xf32, #tpu.memory_space<hbm>>
    tpu.enqueue_dma source(%arg12 : memref<2x50x128xf32, #tpu.memory_space<vmem>>) target(%dma_start3A_308 : memref<2x50x128xf32, #tpu.memory_space<hbm>>) target_semaphore(%arg28 : memref<!tpu.dma_semaphore, #tpu.memory_space<semaphore_mem>>)
    %dma_wait3A_309 = arith.constant 0 : i32
    %dma_wait3A_310 = arith.constant 0 : i32
    %dma_wait3A_311 = arith.constant 0 : i32
    %dma_wait3A_312 = tpu.memref_slice %arg4[%dma_wait3A_309, %dma_wait3A_310, %dma_wait3A_311] : memref<4096x50x128xf32, #tpu.memory_space<hbm>> -> memref<2x50x128xf32, #tpu.memory_space<hbm>>
    %dma_wait3A_313 = arith.constant 0 : i32
    %dma_wait3A_314 = arith.constant 0 : i32
    %dma_wait3A_315 = arith.constant 0 : i32
    %dma_wait3A_316 = tpu.memref_slice %arg4[%dma_wait3A_313, %dma_wait3A_314, %dma_wait3A_315] : memref<4096x50x128xf32, #tpu.memory_space<hbm>> -> memref<2x50x128xf32, #tpu.memory_space<hbm>>
    tpu.wait_dma2 semaphore(%arg21 : memref<!tpu.dma_semaphore, #tpu.memory_space<semaphore_mem>>) src(%dma_wait3A_316 : memref<2x50x128xf32, #tpu.memory_space<hbm>>) dst(%arg13 : memref<2x50x128xf32, #tpu.memory_space<vmem>>)
    %add3A_317 = arith.constant 126 : i32
    %add3A_318 = arith.addi %mul3A_2, %add3A_317 : i32
    %dma_start3A_319 = arith.constant 0 : i32
    %dma_start3A_320 = arith.constant 0 : i32
    %dma_start3A_321 = tpu.memref_slice %arg4[%add3A_318, %dma_start3A_319, %dma_start3A_320] : memref<4096x50x128xf32, #tpu.memory_space<hbm>> -> memref<2x50x128xf32, #tpu.memory_space<hbm>>
    %dma_start3A_322 = arith.constant 0 : i32
    %dma_start3A_323 = arith.constant 0 : i32
    %dma_start3A_324 = tpu.memref_slice %arg4[%add3A_318, %dma_start3A_322, %dma_start3A_323] : memref<4096x50x128xf32, #tpu.memory_space<hbm>> -> memref<2x50x128xf32, #tpu.memory_space<hbm>>
    tpu.enqueue_dma source(%arg13 : memref<2x50x128xf32, #tpu.memory_space<vmem>>) target(%dma_start3A_324 : memref<2x50x128xf32, #tpu.memory_space<hbm>>) target_semaphore(%arg29 : memref<!tpu.dma_semaphore, #tpu.memory_space<semaphore_mem>>)
    %dma_wait3A_325 = arith.constant 0 : i32
    %dma_wait3A_326 = arith.constant 0 : i32
    %dma_wait3A_327 = arith.constant 0 : i32
    %dma_wait3A_328 = tpu.memref_slice %arg4[%dma_wait3A_325, %dma_wait3A_326, %dma_wait3A_327] : memref<4096x50x128xf32, #tpu.memory_space<hbm>> -> memref<2x50x128xf32, #tpu.memory_space<hbm>>
    %dma_wait3A_329 = arith.constant 0 : i32
    %dma_wait3A_330 = arith.constant 0 : i32
    %dma_wait3A_331 = arith.constant 0 : i32
    %dma_wait3A_332 = tpu.memref_slice %arg4[%dma_wait3A_329, %dma_wait3A_330, %dma_wait3A_331] : memref<4096x50x128xf32, #tpu.memory_space<hbm>> -> memref<2x50x128xf32, #tpu.memory_space<hbm>>
    tpu.wait_dma2 semaphore(%arg22 : memref<!tpu.dma_semaphore, #tpu.memory_space<semaphore_mem>>) src(%dma_wait3A_332 : memref<2x50x128xf32, #tpu.memory_space<hbm>>) dst(%arg6 : memref<2x50x128xf32, #tpu.memory_space<vmem>>)
    %dma_wait3A_333 = arith.constant 0 : i32
    %dma_wait3A_334 = arith.constant 0 : i32
    %dma_wait3A_335 = arith.constant 0 : i32
    %dma_wait3A_336 = tpu.memref_slice %arg4[%dma_wait3A_333, %dma_wait3A_334, %dma_wait3A_335] : memref<4096x50x128xf32, #tpu.memory_space<hbm>> -> memref<2x50x128xf32, #tpu.memory_space<hbm>>
    %dma_wait3A_337 = arith.constant 0 : i32
    %dma_wait3A_338 = arith.constant 0 : i32
    %dma_wait3A_339 = arith.constant 0 : i32
    %dma_wait3A_340 = tpu.memref_slice %arg4[%dma_wait3A_337, %dma_wait3A_338, %dma_wait3A_339] : memref<4096x50x128xf32, #tpu.memory_space<hbm>> -> memref<2x50x128xf32, #tpu.memory_space<hbm>>
    tpu.wait_dma2 semaphore(%arg23 : memref<!tpu.dma_semaphore, #tpu.memory_space<semaphore_mem>>) src(%dma_wait3A_340 : memref<2x50x128xf32, #tpu.memory_space<hbm>>) dst(%arg7 : memref<2x50x128xf32, #tpu.memory_space<vmem>>)
    %dma_wait3A_341 = arith.constant 0 : i32
    %dma_wait3A_342 = arith.constant 0 : i32
    %dma_wait3A_343 = arith.constant 0 : i32
    %dma_wait3A_344 = tpu.memref_slice %arg4[%dma_wait3A_341, %dma_wait3A_342, %dma_wait3A_343] : memref<4096x50x128xf32, #tpu.memory_space<hbm>> -> memref<2x50x128xf32, #tpu.memory_space<hbm>>
    %dma_wait3A_345 = arith.constant 0 : i32
    %dma_wait3A_346 = arith.constant 0 : i32
    %dma_wait3A_347 = arith.constant 0 : i32
    %dma_wait3A_348 = tpu.memref_slice %arg4[%dma_wait3A_345, %dma_wait3A_346, %dma_wait3A_347] : memref<4096x50x128xf32, #tpu.memory_space<hbm>> -> memref<2x50x128xf32, #tpu.memory_space<hbm>>
    tpu.wait_dma2 semaphore(%arg24 : memref<!tpu.dma_semaphore, #tpu.memory_space<semaphore_mem>>) src(%dma_wait3A_348 : memref<2x50x128xf32, #tpu.memory_space<hbm>>) dst(%arg8 : memref<2x50x128xf32, #tpu.memory_space<vmem>>)
    %dma_wait3A_349 = arith.constant 0 : i32
    %dma_wait3A_350 = arith.constant 0 : i32
    %dma_wait3A_351 = arith.constant 0 : i32
    %dma_wait3A_352 = tpu.memref_slice %arg4[%dma_wait3A_349, %dma_wait3A_350, %dma_wait3A_351] : memref<4096x50x128xf32, #tpu.memory_space<hbm>> -> memref<2x50x128xf32, #tpu.memory_space<hbm>>
    %dma_wait3A_353 = arith.constant 0 : i32
    %dma_wait3A_354 = arith.constant 0 : i32
    %dma_wait3A_355 = arith.constant 0 : i32
    %dma_wait3A_356 = tpu.memref_slice %arg4[%dma_wait3A_353, %dma_wait3A_354, %dma_wait3A_355] : memref<4096x50x128xf32, #tpu.memory_space<hbm>> -> memref<2x50x128xf32, #tpu.memory_space<hbm>>
    tpu.wait_dma2 semaphore(%arg25 : memref<!tpu.dma_semaphore, #tpu.memory_space<semaphore_mem>>) src(%dma_wait3A_356 : memref<2x50x128xf32, #tpu.memory_space<hbm>>) dst(%arg9 : memref<2x50x128xf32, #tpu.memory_space<vmem>>)
    %dma_wait3A_357 = arith.constant 0 : i32
    %dma_wait3A_358 = arith.constant 0 : i32
    %dma_wait3A_359 = arith.constant 0 : i32
    %dma_wait3A_360 = tpu.memref_slice %arg4[%dma_wait3A_357, %dma_wait3A_358, %dma_wait3A_359] : memref<4096x50x128xf32, #tpu.memory_space<hbm>> -> memref<2x50x128xf32, #tpu.memory_space<hbm>>
    %dma_wait3A_361 = arith.constant 0 : i32
    %dma_wait3A_362 = arith.constant 0 : i32
    %dma_wait3A_363 = arith.constant 0 : i32
    %dma_wait3A_364 = tpu.memref_slice %arg4[%dma_wait3A_361, %dma_wait3A_362, %dma_wait3A_363] : memref<4096x50x128xf32, #tpu.memory_space<hbm>> -> memref<2x50x128xf32, #tpu.memory_space<hbm>>
    tpu.wait_dma2 semaphore(%arg26 : memref<!tpu.dma_semaphore, #tpu.memory_space<semaphore_mem>>) src(%dma_wait3A_364 : memref<2x50x128xf32, #tpu.memory_space<hbm>>) dst(%arg10 : memref<2x50x128xf32, #tpu.memory_space<vmem>>)
    %dma_wait3A_365 = arith.constant 0 : i32
    %dma_wait3A_366 = arith.constant 0 : i32
    %dma_wait3A_367 = arith.constant 0 : i32
    %dma_wait3A_368 = tpu.memref_slice %arg4[%dma_wait3A_365, %dma_wait3A_366, %dma_wait3A_367] : memref<4096x50x128xf32, #tpu.memory_space<hbm>> -> memref<2x50x128xf32, #tpu.memory_space<hbm>>
    %dma_wait3A_369 = arith.constant 0 : i32
    %dma_wait3A_370 = arith.constant 0 : i32
    %dma_wait3A_371 = arith.constant 0 : i32
    %dma_wait3A_372 = tpu.memref_slice %arg4[%dma_wait3A_369, %dma_wait3A_370, %dma_wait3A_371] : memref<4096x50x128xf32, #tpu.memory_space<hbm>> -> memref<2x50x128xf32, #tpu.memory_space<hbm>>
    tpu.wait_dma2 semaphore(%arg27 : memref<!tpu.dma_semaphore, #tpu.memory_space<semaphore_mem>>) src(%dma_wait3A_372 : memref<2x50x128xf32, #tpu.memory_space<hbm>>) dst(%arg11 : memref<2x50x128xf32, #tpu.memory_space<vmem>>)
    %dma_wait3A_373 = arith.constant 0 : i32
    %dma_wait3A_374 = arith.constant 0 : i32
    %dma_wait3A_375 = arith.constant 0 : i32
    %dma_wait3A_376 = tpu.memref_slice %arg4[%dma_wait3A_373, %dma_wait3A_374, %dma_wait3A_375] : memref<4096x50x128xf32, #tpu.memory_space<hbm>> -> memref<2x50x128xf32, #tpu.memory_space<hbm>>
    %dma_wait3A_377 = arith.constant 0 : i32
    %dma_wait3A_378 = arith.constant 0 : i32
    %dma_wait3A_379 = arith.constant 0 : i32
    %dma_wait3A_380 = tpu.memref_slice %arg4[%dma_wait3A_377, %dma_wait3A_378, %dma_wait3A_379] : memref<4096x50x128xf32, #tpu.memory_space<hbm>> -> memref<2x50x128xf32, #tpu.memory_space<hbm>>
    tpu.wait_dma2 semaphore(%arg28 : memref<!tpu.dma_semaphore, #tpu.memory_space<semaphore_mem>>) src(%dma_wait3A_380 : memref<2x50x128xf32, #tpu.memory_space<hbm>>) dst(%arg12 : memref<2x50x128xf32, #tpu.memory_space<vmem>>)
    %dma_wait3A_381 = arith.constant 0 : i32
    %dma_wait3A_382 = arith.constant 0 : i32
    %dma_wait3A_383 = arith.constant 0 : i32
    %dma_wait3A_384 = tpu.memref_slice %arg4[%dma_wait3A_381, %dma_wait3A_382, %dma_wait3A_383] : memref<4096x50x128xf32, #tpu.memory_space<hbm>> -> memref<2x50x128xf32, #tpu.memory_space<hbm>>
    %dma_wait3A_385 = arith.constant 0 : i32
    %dma_wait3A_386 = arith.constant 0 : i32
    %dma_wait3A_387 = arith.constant 0 : i32
    %dma_wait3A_388 = tpu.memref_slice %arg4[%dma_wait3A_385, %dma_wait3A_386, %dma_wait3A_387] : memref<4096x50x128xf32, #tpu.memory_space<hbm>> -> memref<2x50x128xf32, #tpu.memory_space<hbm>>
    tpu.wait_dma2 semaphore(%arg29 : memref<!tpu.dma_semaphore, #tpu.memory_space<semaphore_mem>>) src(%dma_wait3A_388 : memref<2x50x128xf32, #tpu.memory_space<hbm>>) dst(%arg13 : memref<2x50x128xf32, #tpu.memory_space<vmem>>)
    return
  }
}

</mosaic_0001>

<sc_bundles>
// kernel: kernel.3.cloned.1.call-start
scs
__scs_entry_jumppad:
0x0: {  	(pc) =	sbr.rel $0x88, $3  }
0x1: {  	(tag) =	ssettag $0x0;
	lr =	simm.s32 $0x1  }
0x2: {  	[smem:$0x3F9F] =	sst lr;
	_ =	strace $0xD0000000  }
0x3: {  	_ = 	snop  }
0x4: {  	_ = 	snop  }
0x5: {  	_ = 	snop  }
0x6: {  	_ = 	snop  }
0x7: {  	_ = 	snop  }
__scs_overlays_trampoline_lowered:
0x8: {  	[smem:$0x3FAE] =	sst s0  }
0x9: {  	[smem:$0x3FAF] =	sst s1  }
0xa: {  	[smem:$0x3FB0] =	sst s2  }
0xb: {  	[smem:$0x3FB1] =	sst s3  }
0xc: {  	[smem:$0x3FB2] =	sst s4  }
0xd: {  	[smem:$0x3FB3] =	sst s5  }
0xe: {  	[smem:$0x3FB4] =	sst s6  }
0xf: {  	[smem:$0x3FB5] =	sst s7  }
0x10: {  	[smem:$0x3FB6] =	sst s8  }
0x11: {  	[smem:$0x3FB7] =	sst s9;
	s0 =	simm.s32 @!p0 $0x0  }
0x12: {  	s1 =	sld [smem:$0x3F9D];
	s0 =	simm.s32 @p0 $0x1  }
0x13: {  	[smem:$0x3FB8] =	sst s0;
	s0 =	simm.s32 @!p1 $0x0  }
0x14: {  	s2 =	sld [smem:$0x3F9C];
	s0 =	simm.s32 @p1 $0x1  }
0x15: {  	[smem:$0x3FB9] =	sst s0;
	s0 =	simm.s32 @!p2 $0x0  }
0x16: {  	s3 =	sld [smem:$0x3FDB];
	s0 =	simm.s32 @p2 $0x1  }
0x17: {  	s4 =	simm.s32 $0x1BF5;
	[smem:$0x3FBB] =	sst s0  }
0x18: {  	s0 =	sld [smem:$0x3F9E];
	_ =	swait.ge [sflag:s4], $0x0  }
0x19: {  	s7 =	sld [smem:$0x3F9F]  }
0x1a: {  	s8 =	sadd.s32 $0xFFFFE003, lr  }
0x1b: {  	s9 =	sadd.s32 $0xFFFFFEF7, lr;
	s5 =	simm.s32 $0xFFFFFFFF;
	p2 =	slt.u32 s8, $0xFFFFF086  }
0x1c: {  	p1 =	slt.u32 s9, $0xF7A;
	s5 =	simm.s32 @!p2 $0x0  }
0x1d: {  	s5 =	simm.s32 @p1 $0x1;
	p0 =	seq.s32 s7, s2  }
0x1e: {  	s7 =	smul.u32 @!p0 $0xF7A, s2;
	p2 =	seq.s32 @!p0 s5, $0x0  }
0x1f: {  	s9 =	smul.u32 $0xF7A, s1;
	s8 =	simm.s32 @!p0 $0x1BF5;
	p2 =	por !p2, p0  }
0x20: {  	[sflag:s8] =	ssyncset.s32 @!p0 $0xFFFFF086;
	s6 =	sadd.s32 @!p0 s3, s7;
	s7 =	simm.s32 @!p0 $0x108  }
0x21: {  	s3 =	sadd.s32 s3, s9;
	s6 =	sadd.s32 @!p0 $0x88, s6;
	s7 =	simm.s32 @p2 $0x1082  }
0x22: {  	[simem:s7], [sflag:s8] =	dma.local @!p0 [hbm:s6], $0xF7A  }
0x23: {  	s9 =	sor.u32 $0xD0000000, s2;
	s6 =	simm.s32 $0x108;
	_ =	swait.ge @!p0 [sflag:s8], $0x0  }
0x24: {  	s3 =	sadd.s32 $0x88, s3;
	s6 =	simm.s32 @!p1 $0x1082;
	[sflag:s4] =	ssyncset.s32 $0xFFFFF086  }
0x25: {  	[simem:s6], [sflag:s4] =	dma.local [hbm:s3], $0xF7A  }
0x26: {  	[smem:$0x3F9F] =	sst s1;
	(tag) =	ssettag s2;
	_ =	strace s9  }
0x27: {  	s1 =	sld [smem:$0x3FAF]  }
0x28: {  	s2 =	sld [smem:$0x3FB0]  }
0x29: {  	s4 =	sld [smem:$0x3FB2]  }
0x2a: {  	p0 =	seq.s32 s5, $0x0;
	s5 =	sld [smem:$0x3FB3]  }
0x2b: {  	s6 =	sld [smem:$0x3FB4]  }
0x2c: {  	s7 =	sld [smem:$0x3FB5]  }
0x2d: {  	s3 =	simm.s32 $0x108;
	s8 =	sld [smem:$0x3FB6]  }
0x2e: {  	s3 =	simm.s32 @!p0 $0x1082;
	s9 =	sld [smem:$0x3FB7]  }
0x2f: {  	lr =	sadd.s32 s0, s3;
	s0 =	sld [smem:$0x3FAE]  }
0x30: {  	s3 =	sld [smem:$0x3FB1]  }
0x31: {  	[smem:$0x3FBA] =	sst s10  }
0x32: {  	s10 =	sld [smem:$0x3FB8];
	_ =	sdelay $0x3  }
0x33: {  	p0 =	seq.s32 s10, $0x1;
	s10 =	sld [smem:$0x3FBA];
	_ =	sdelay $0x3  }
0x34: {  	[smem:$0x3FBA] =	sst s10  }
0x35: {  	s10 =	sld [smem:$0x3FB9];
	_ =	sdelay $0x3  }
0x36: {  	p1 =	seq.s32 s10, $0x1;
	s10 =	sld [smem:$0x3FBA];
	_ =	sdelay $0x3  }
0x37: {  	[smem:$0x3FBA] =	sst s10  }
0x38: {  	s10 =	sld [smem:$0x3FBB]  }
0x39: {  	_ = 	snop;
	(pc) =	sbr.ind lr, $3  }
0x3a: {  	_ = 	snop  }
0x3b: {  	_ = 	snop  }
0x3c: {  	p2 =	seq.s32 s10, $0x1;
	s10 =	sld [smem:$0x3FBA]  }
0x3d: {  	_ =	shalt  }
0x3e: {  	_ =	shalt  }
0x3f: {  	_ =	shalt  }
0x40: {  	_ =	shalt  }
0x41: {  	_ =	shalt  }
0x42: {  	_ =	shalt  }
0x43: {  	_ =	shalt  }
0x44: {  	_ =	shalt  }
0x45: {  	_ =	shalt  }
0x46: {  	_ =	shalt  }
0x47: {  	_ =	shalt  }
0x48: {  	_ =	shalt  }
0x49: {  	_ =	shalt  }
0x4a: {  	_ =	shalt  }
0x4b: {  	_ =	shalt  }
0x4c: {  	_ =	shalt  }
0x4d: {  	_ =	shalt  }
0x4e: {  	_ =	shalt  }
0x4f: {  	_ =	shalt  }
0x50: {  	_ =	shalt  }
0x51: {  	_ =	shalt  }
0x52: {  	_ =	shalt  }
0x53: {  	_ =	shalt  }
0x54: {  	_ =	shalt  }
0x55: {  	_ =	shalt  }
0x56: {  	_ =	shalt  }
0x57: {  	_ =	shalt  }
0x58: {  	_ =	shalt  }
0x59: {  	_ =	shalt  }
0x5a: {  	_ =	shalt  }
0x5b: {  	_ =	shalt  }
0x5c: {  	_ =	shalt  }
0x5d: {  	_ =	shalt  }
0x5e: {  	_ =	shalt  }
0x5f: {  	_ =	shalt  }
0x60: {  	_ =	shalt  }
0x61: {  	_ =	shalt  }
0x62: {  	_ =	shalt  }
0x63: {  	_ =	shalt  }
0x64: {  	_ =	shalt  }
0x65: {  	_ =	shalt  }
0x66: {  	_ =	shalt  }
0x67: {  	_ =	shalt  }
0x68: {  	_ =	shalt  }
0x69: {  	_ =	shalt  }
0x6a: {  	_ =	shalt  }
0x6b: {  	_ =	shalt  }
0x6c: {  	_ =	shalt  }
0x6d: {  	_ =	shalt  }
0x6e: {  	_ =	shalt  }
0x6f: {  	_ =	shalt  }
0x70: {  	_ =	shalt  }
0x71: {  	_ =	shalt  }
0x72: {  	_ =	shalt  }
0x73: {  	_ =	shalt  }
0x74: {  	_ =	shalt  }
0x75: {  	_ =	shalt  }
0x76: {  	_ =	shalt  }
0x77: {  	_ =	shalt  }
0x78: {  	_ =	shalt  }
0x79: {  	_ =	shalt  }
0x7a: {  	_ =	shalt  }
0x7b: {  	_ =	shalt  }
0x7c: {  	_ =	shalt  }
0x7d: {  	_ =	shalt  }
0x7e: {  	_ =	shalt  }
0x7f: {  	_ =	shalt  }
0x80: {  	_ =	shalt  }
0x81: {  	_ =	shalt  }
0x82: {  	_ =	shalt  }
0x83: {  	_ =	shalt  }
0x84: {  	_ =	shalt  }
0x85: {  	_ =	shalt  }
0x86: {  	_ =	shalt  }
0x87: {  	_ =	shalt  }
.Lfunc_end0:
.L_simem_size_0:
called_computation_lowered:
.L_overlay_start_0:
0x88: {  	s2 =	sld [smem:$0x3FD9]  }
0x89: {  	s3 =	sld [smem:$0x3FFE];
	_ =	sdelay $0x1  }
0x8a: {  	s1 =	srdreg.scid  }
0x8b: {  	s0 =	sand.u32 $0x1, s1  }
0x8c: {  	s17 =	sshll.u32 s0, $0xA;
	s2 =	sadd.s32 s3, s2  }
0x8d: {  	s2 =	sadd.s32 s2, s17  }
0x8e: {  	[smem:$0x3FC6] =	sst s2  }
0x8f: {  	_ = 	snop  }
0x90: {  	s2 =	sld [smem:$0x3FC9]  }
0x91: {  	s18 =	sld [smem:$0x3FD0];
	(tm) =	ssettm $0x1  }
0x92: {  	s4 =	sld [smem:$0x3FFB];
	_ =	sdelay $0x3  }
0x93: {  	_ =	strace s4  }
0x94: {  	s4 =	sld [smem:$0x3FFC];
	_ =	sdelay $0x3  }
0x95: {  	_ =	strace s4  }
0x96: {  	s4 =	sld [smem:$0x3FFD];
	_ =	sdelay $0x3  }
0x97: {  	_ =	strace s4  }
0x98: {  	_ =	strace $0x8FFFFFFF  }
0x99: {  	s19 =	sld [smem:$0x3FDB];
	_ =	sdelay $0x1  }
0x9a: {  	s5 =	simm.s32 $_scs_section_size  }
0x9b: {  	s6 =	simm.s32 $_size__tile_overlayer_lowered;
	s7 =	simm.s32 $_tile_overlayer_lowered  }
0x9c: {  	s22 =	simm.s32 $0x1BFF;
	s21 =	sshll.u32 s7, $0x1;
	s4 =	sadd.s32 s5, s19  }
0x9d: {  	s8 =	simm.s32 $0x0;
	s20 =	sshll.u32 s6, $0x1;
	s6 =	sadd.s32 s21, s4  }
0x9e: {  	[timem:s8], [sflag:s22] =	dma.local [hbm:s6], s20  }
0x9f: {  	_ =	swait.ge [sflag:s22], s20  }
0xa0: {  	s5 =	ssub.s32 $0x0, s20;
	[sflag:s22] =	ssyncset.done $0x0  }
0xa1: {  	[sflag:s22] =	ssyncadd.s32 s5;
	_ =	sdelay $0x1  }
0xa2: {  	s23 =	simm.s32 $0x1B8B  }
0xa3: {  	_ =	swait.ge [sflag:s23], $0x1  }
0xa4: {  	[sflag:s23] =	ssyncset.done $0x0  }
0xa5: {  	s25 =	simm.s32 $0x1B8E;
	s24 =	sld [smem:$0x3FFE];
	[sflag:s23] =	ssyncadd.s32 $0xFFFFFFFF  }
0xa6: {  	s26 =	simm.s32 $execute0_lowered;
	[smem:$0x3FD2] =	sst s25  }
0xa7: {  	s6 =	sshll.u32 s26, $0x1;
	_ =	strace $0x80000046;
	[dreg:$0x1] =	wrdreg $0xFFFFFFFF  }
0xa8: {  	s28 =	simm.s32 $_size_execute0_lowered;
	s4 =	sadd.s32 s4, s6;
	[dreg:$0x0] =	wrdreg $0x0  }
0xa9: {  	s6 =	sshll.u32 s28, $0x1;
	[dreg:$0x2] =	wrdreg s4  }
0xaa: {  	[dreg:$0x3] =	wrdreg s6  }
0xab: {  	[dreg:$0x4] =	wrdreg $0xC0  }
0xac: {  	_ =	task [dreg:s8], $0x5FFFF  }
0xad: {  	[dreg:$0x1] =	wrdreg $0xFFFFFFFF  }
0xae: {  	[dreg:$0x0] =	wrdreg $0x60  }
0xaf: {  	[dreg:$0x2] =	wrdreg s2  }
0xb0: {  	[dreg:$0x3] =	wrdreg s18  }
0xb1: {  	[dreg:$0x4] =	wrdreg s24  }
0xb2: {  	[dreg:$0x5] =	wrdreg $0x9  }
0xb3: {  	_ =	task.clear_ibuf [dreg:s8], $0x6FFFF;
	_ =	strace $0x90000046  }
0xb4: {  	s29 =	simm.s32 $0x9;
	_ =	strace $0x80000048  }
0xb5: {  	_ =	swait.ge [sflag:s29], $0x1  }
0xb6: {  	[sflag:s29] =	ssyncadd.s32 $0xFFFFFFFF  }
0xb7: {  	_ =	strace $0x90000048  }
0xb8: {  	_ =	sfence  }
0xb9: {  	s30 =	sld [smem:$0x0];
	_ =	sdelay $0x2  }
0xba: {  	s31 =	sshll.u32 s1, $0xD;
	s1 =	sshrl.u32 s1, $0x2  }
0xbb: {  	s3 =	sand.u32 $0x4000, s31;
	s1 =	sadd.s32 s1, s30  }
0xbc: {  	s0 =	sor.u32 s3, s0;
	s1 =	sshll.u32 s1, $0x11  }
0xbd: {  	s0 =	sor.u32 s1, s0  }
0xbe: {  	s0 =	sadd.s32 $0x8F2B, s0  }
0xbf: {  	[sflag:s0] =	ssyncadd.remote.s32 $0x1  }
0xc0: {  	_ =	sfence.sel $0xFFFF  }
0xc1: {  	[dreg:$0x0] =	wrdreg $0xFFFFFFFF;
	(pc) =	sbr.abs _section_cstart, $3  }
0xc2: {  	[dreg:$0x1] =	wrdreg $0xFFFFFFFF  }
0xc3: {  	_ =	task.clear_ibuf [dreg:s8], $0x2FFFF;
	_ =	strace $0x9FFFFFFF  }
0xc4: {  	(tm) =	ssettm $0x7FFFFFFF  }
0xc5: {  	_ =	shalt  }
tec
execute0_lowered:
.L_overlay_start_1:
0x0: {  	(tag) =	ssettag $0x1  }
0x1: {  	s2 =	rddreg [dreg:$0x0]  }
0x2: {  	s0 =	rddreg [dreg:$0x1];
	s1 =	srdreg.scid  }
0x3: {  	s4 =	rddreg [dreg:$0x2];
	s9 =	stileid.u32  }
0x4: {  	s3 =	simm.s32 $0x0;
	s13 =	simm.s32 $0xCC00;
	s29 =	simm.s32 $0x2  }
0x5: {  	s28 =	simm.s32 $0x12000;
	s15 =	simm.s32 $0x13C00;
	s12 =	simm.s32 $0x5  }
0x6: {  	s30 =	simm.s32 $0x2;
	s1 =	sand.u32 $0x1, s1;
	s5 =	sshll.u32 s9, $0x8  }
0x7: {  	[smem:$0x7FF] =	sst s3;
	s4 =	sadd.s32 $0x400, s4;
	s22 =	smul.u32 $0x38000, s9  }
0x8: {  	s9 =	simm.s32 $0x4;
	s6 =	sshll.u32 s1, $0x7;
	s7 =	ssub.s32 $0x2, s1  }
0x9: {  	s1 =	smul.u32 $0x1C000, s1;
	s5 =	sor.u32 s6, s5;
	s16 =	sshrl.u32 s7, $0x1  }
0xa: {  	_ =	strace $0x80000047;
	s8 =	smul.u32 $0x380, s5;
	s6 =	ssub.s32 s7, s16  }
0xb: {  	s17 =	sshll.u32 s5, $0x4;
	s5 =	smul.u32 $0x1C00, s5;
	s16 =	simm.s32 $0x32  }
0xc: {  	s7 =	simm.s32 $0x10400;
	s0 =	sadd.s32 s0, s17;
	s26 =	smax.u32 s6, $0x1  }
0xd: {  	s6 =	simm.s32 $0xE800;
	s17 =	simm.s32 $0x6;
	[dreg:$0x5] =	wrdreg s0  }
0xe: {  	s8 =	sadd.s32 s4, s8;
	s21 =	sshrl.u32 s5, $0x3;
	[dreg:$0xd] =	wrdreg s26  }
0xf: {  	s26 =	simm.s32 $0x5C00;
	s18 =	sadd.s32 $0x700, s8;
	[dreg:$0x4] =	wrdreg s8  }
0x10: {  	s5 =	simm.s32 $0xB000;
	s19 =	sadd.s32 $0xE00, s8;
	[dreg:$0x6] =	wrdreg s18  }
0x11: {  	s20 =	sadd.s32 $0x1500, s8;
	s23 =	sadd.s32 $0x1C00, s8;
	[dreg:$0x7] =	wrdreg s19  }
0x12: {  	s0 =	sadd.s32 s4, s21;
	s24 =	sadd.s32 $0x2300, s8;
	[dreg:$0x8] =	wrdreg s20  }
0x13: {  	s4 =	sadd.s32 s22, s4;
	s22 =	simm.s32 $0x4000;
	[dreg:$0x9] =	wrdreg s23  }
0x14: {  	s8 =	simm.s32 $0x15800;
	[dreg:$0xa] =	wrdreg s24;
	s25 =	sadd.s32 $0x1B200, s0  }
0x15: {  	s0 =	sadd.s32 $0x1B900, s0;
	s31 =	sadd.s32 s1, s4;
	s20 =	simm.s32 $0x7800  }
0x16: {  	s18 =	simm.s32 $0x1;
	s24 =	simm.s32 $0x3;
	[dreg:$0xb] =	wrdreg s25  }
0x17: {  	s23 =	simm.s32 $0x10;
	[dreg:$0xc] =	wrdreg s0;
	s0 =	sadd.s32 $0x5B00, s31  }
0x18: {  	s4 =	simm.s32 $0x0;
	[dreg:$0xe] =	wrdreg s0;
	s0 =	simm.s32 $0x9400  }
.LBB2_1:
0x19: {  	[dreg:$0xf] =	wrdreg s4  }
0x1a: {  	s1 =	rddreg [dreg:$0x5];
	s21 =	simm.s32 $0x11  }
0x1b: {  	[tilespmem:s3], [sflag:$0x11] =	stream.linear.gather [hbm4b:s1+s3], $0x4000, $0x38;
	v63 =	vld [tilespmem:$0x0]  }
0x1c: {  	_ =	swait.ge [sflag:s21], $0x4000  }
0x1d: {  	[sflag:s21] =	ssyncset.done $0x0  }
0x1e: {  	[sflag:s21] =	ssyncadd.s32 $0xFFFFC000  }
0x1f: {  	[tilespmem:s22], [sflag:$0x1] =	stream.indirect.gather [hbm4b:s2+s16], $0x80, s3, s16, $0xb8;
	v63 =	vld [tilespmem:$0x0]  }
0x20: {  	s25 =	simm.s32 $0x80  }
0x21: {  	[tilespmem:s26], [sflag:$0x1] =	stream.indirect.gather [hbm4b:s2+s16], $0x80, s25, s16, $0xb8;
	v63 =	vld [tilespmem:$0x0]  }
0x22: {  	s4 =	simm.s32 $0x100  }
0x23: {  	[tilespmem:s20], [sflag:$0x2] =	stream.indirect.gather [hbm4b:s2+s16], $0x80, s4, s16, $0xb8;
	v63 =	vld [tilespmem:$0x0]  }
0x24: {  	s10 =	simm.s32 $0x180  }
0x25: {  	[tilespmem:s0], [sflag:$0x2] =	stream.indirect.gather [hbm4b:s2+s16], $0x80, s10, s16, $0xb8;
	v63 =	vld [tilespmem:$0x0]  }
0x26: {  	s11 =	simm.s32 $0x200  }
0x27: {  	[tilespmem:s5], [sflag:$0x3] =	stream.indirect.gather [hbm4b:s2+s16], $0x80, s11, s16, $0xb8;
	v63 =	vld [tilespmem:$0x0]  }
0x28: {  	s14 =	simm.s32 $0x280  }
0x29: {  	[tilespmem:s13], [sflag:$0x3] =	stream.indirect.gather [hbm4b:s2+s16], $0x80, s14, s16, $0xb8;
	v63 =	vld [tilespmem:$0x0]  }
0x2a: {  	_ =	swait.ge [sflag:s18], $0x3200  }
0x2b: {  	[sflag:s18] =	ssyncset.done $0x0  }
0x2c: {  	s19 =	rddreg [dreg:$0x4];
	[sflag:s18] =	ssyncadd.s32 $0xFFFFCE00  }
0x2d: {  	[hbm4b:s19+s3] =	stream.linear.scatter [tilespmem:s22], [sflag:$0x9], $0x1900, $0x38;
	v63 =	vld [tilespmem:$0x0]  }
0x2e: {  	s25 =	sadd.s32 $0x380, s19  }
0x2f: {  	[hbm4b:s25+s3] =	stream.linear.scatter [tilespmem:s26], [sflag:$0x9], $0x1900, $0x38;
	v63 =	vld [tilespmem:$0x0]  }
0x30: {  	s21 =	simm.s32 $0x300  }
0x31: {  	[tilespmem:s6], [sflag:$0x4] =	stream.indirect.gather [hbm4b:s2+s16], $0x80, s21, s16, $0xb8;
	v63 =	vld [tilespmem:$0x0]  }
0x32: {  	s25 =	simm.s32 $0x380  }
0x33: {  	[tilespmem:s7], [sflag:$0x4] =	stream.indirect.gather [hbm4b:s2+s16], $0x80, s25, s16, $0xb8;
	v63 =	vld [tilespmem:$0x0]  }
0x34: {  	_ =	swait.ge [sflag:s29], $0x3200  }
0x35: {  	[sflag:s29] =	ssyncset.done $0x0  }
0x36: {  	s4 =	rddreg [dreg:$0x6];
	[sflag:s29] =	ssyncadd.s32 $0xFFFFCE00  }
0x37: {  	[hbm4b:s4+s3] =	stream.linear.scatter [tilespmem:s20], [sflag:$0xA], $0x1900, $0x38;
	v63 =	vld [tilespmem:$0x0]  }
0x38: {  	s10 =	sadd.s32 $0x380, s4  }
0x39: {  	[hbm4b:s10+s3] =	stream.linear.scatter [tilespmem:s0], [sflag:$0xA], $0x1900, $0x38;
	v63 =	vld [tilespmem:$0x0]  }
0x3a: {  	s11 =	simm.s32 $0x400  }
0x3b: {  	[tilespmem:s28], [sflag:$0x5] =	stream.indirect.gather [hbm4b:s2+s16], $0x80, s11, s16, $0xb8;
	v63 =	vld [tilespmem:$0x0]  }
0x3c: {  	s14 =	simm.s32 $0x480  }
0x3d: {  	[tilespmem:s15], [sflag:$0x5] =	stream.indirect.gather [hbm4b:s2+s16], $0x80, s14, s16, $0xb8;
	v63 =	vld [tilespmem:$0x0]  }
0x3e: {  	_ =	swait.ge [sflag:s24], $0x3200  }
0x3f: {  	[sflag:s24] =	ssyncset.done $0x0  }
0x40: {  	s19 =	rddreg [dreg:$0x7];
	[sflag:s24] =	ssyncadd.s32 $0xFFFFCE00  }
0x41: {  	[hbm4b:s19+s3] =	stream.linear.scatter [tilespmem:s5], [sflag:$0xB], $0x1900, $0x38;
	v63 =	vld [tilespmem:$0x0]  }
0x42: {  	s21 =	sadd.s32 $0x380, s19  }
0x43: {  	[hbm4b:s21+s3] =	stream.linear.scatter [tilespmem:s13], [sflag:$0xB], $0x1900, $0x38;
	v63 =	vld [tilespmem:$0x0]  }
0x44: {  	s25 =	simm.s32 $0x500  }
0x45: {  	[tilespmem:s8], [sflag:$0x6] =	stream.indirect.gather [hbm4b:s2+s16], $0x80, s25, s16, $0xb8;
	v63 =	vld [tilespmem:$0x0]  }
0x46: {  	s4 =	simm.s32 $0x580;
	s10 =	simm.s32 $0x17400  }
0x47: {  	[tilespmem:s10], [sflag:$0x6] =	stream.indirect.gather [hbm4b:s2+s16], $0x80, s4, s16, $0xb8;
	v63 =	vld [tilespmem:$0x0]  }
0x48: {  	_ =	swait.ge [sflag:s9], $0x3200  }
0x49: {  	[sflag:s9] =	ssyncset.done $0x0  }
0x4a: {  	s11 =	rddreg [dreg:$0x8];
	[sflag:s9] =	ssyncadd.s32 $0xFFFFCE00  }
0x4b: {  	[hbm4b:s11+s3] =	stream.linear.scatter [tilespmem:s6], [sflag:$0xC], $0x1900, $0x38;
	v63 =	vld [tilespmem:$0x0]  }
0x4c: {  	s14 =	sadd.s32 $0x380, s11  }
0x4d: {  	[hbm4b:s14+s3] =	stream.linear.scatter [tilespmem:s7], [sflag:$0xC], $0x1900, $0x38;
	v63 =	vld [tilespmem:$0x0]  }
0x4e: {  	s19 =	simm.s32 $0x600;
	s11 =	simm.s32 $0x19000  }
0x4f: {  	[tilespmem:s11], [sflag:$0x7] =	stream.indirect.gather [hbm4b:s2+s16], $0x80, s19, s16, $0xb8;
	v63 =	vld [tilespmem:$0x0]  }
0x50: {  	s21 =	simm.s32 $0x680;
	s4 =	simm.s32 $0x1AC00  }
0x51: {  	[tilespmem:s4], [sflag:$0x7] =	stream.indirect.gather [hbm4b:s2+s16], $0x80, s21, s16, $0xb8;
	v63 =	vld [tilespmem:$0x0]  }
0x52: {  	_ =	swait.ge [sflag:s12], $0x3200  }
0x53: {  	[sflag:s12] =	ssyncset.done $0x0  }
0x54: {  	s25 =	rddreg [dreg:$0x9];
	[sflag:s12] =	ssyncadd.s32 $0xFFFFCE00  }
0x55: {  	[hbm4b:s25+s3] =	stream.linear.scatter [tilespmem:s28], [sflag:$0xD], $0x1900, $0x38;
	v63 =	vld [tilespmem:$0x0]  }
0x56: {  	s14 =	sadd.s32 $0x380, s25  }
0x57: {  	[hbm4b:s14+s3] =	stream.linear.scatter [tilespmem:s15], [sflag:$0xD], $0x1900, $0x38;
	v63 =	vld [tilespmem:$0x0]  }
0x58: {  	s19 =	simm.s32 $0x700;
	s14 =	simm.s32 $0x1C800  }
0x59: {  	[tilespmem:s14], [sflag:$0x8] =	stream.indirect.gather [hbm4b:s2+s16], $0x80, s19, s16, $0xb8;
	v63 =	vld [tilespmem:$0x0]  }
0x5a: {  	s21 =	simm.s32 $0x780;
	s19 =	simm.s32 $0x1E400  }
0x5b: {  	[tilespmem:s19], [sflag:$0x8] =	stream.indirect.gather [hbm4b:s2+s16], $0x80, s21, s16, $0xb8;
	v63 =	vld [tilespmem:$0x0]  }
0x5c: {  	_ =	swait.ge [sflag:s17], $0x3200  }
0x5d: {  	[sflag:s17] =	ssyncset.done $0x0  }
0x5e: {  	s25 =	rddreg [dreg:$0xa];
	[sflag:s17] =	ssyncadd.s32 $0xFFFFCE00  }
0x5f: {  	[hbm4b:s25+s3] =	stream.linear.scatter [tilespmem:s8], [sflag:$0xE], $0x1900, $0x38;
	v63 =	vld [tilespmem:$0x0]  }
0x60: {  	s21 =	sadd.s32 $0x380, s25;
	s25 =	simm.s32 $0x9  }
0x61: {  	[hbm4b:s21+s3] =	stream.linear.scatter [tilespmem:s10], [sflag:$0xE], $0x1900, $0x38;
	v63 =	vld [tilespmem:$0x0]  }
0x62: {  	_ =	swait.ge [sflag:s25], $0x3200  }
0x63: {  	[sflag:s25] =	ssyncset.done $0x0  }
0x64: {  	s1 =	simm.s32 $0x800;
	[sflag:s25] =	ssyncadd.s32 $0xFFFFCE00  }
0x65: {  	[tilespmem:s22], [sflag:$0x1] =	stream.indirect.gather [hbm4b:s2+s16], $0x80, s1, s16, $0xb8;
	v63 =	vld [tilespmem:$0x0]  }
0x66: {  	s21 =	simm.s32 $0x880;
	s25 =	simm.s32 $0x7  }
0x67: {  	[tilespmem:s26], [sflag:$0x1] =	stream.indirect.gather [hbm4b:s2+s16], $0x80, s21, s16, $0xb8;
	v63 =	vld [tilespmem:$0x0]  }
0x68: {  	_ =	swait.ge [sflag:s25], $0x3200  }
0x69: {  	[sflag:s25] =	ssyncset.done $0x0;
	s1 =	rddreg [dreg:$0xe]  }
0x6a: {  	[sflag:s25] =	ssyncadd.s32 $0xFFFFCE00;
	s21 =	sadd.s32 $0xFFFFCF00, s1  }
0x6b: {  	[hbm4b:s21+s3] =	stream.linear.scatter [tilespmem:s11], [sflag:$0xF], $0x1900, $0x38;
	v63 =	vld [tilespmem:$0x0]  }
0x6c: {  	s21 =	sadd.s32 $0xFFFFD280, s1  }
0x6d: {  	[hbm4b:s21+s3] =	stream.linear.scatter [tilespmem:s4], [sflag:$0xF], $0x1900, $0x38;
	v63 =	vld [tilespmem:$0x0]  }
0x6e: {  	s21 =	simm.s32 $0xA  }
0x6f: {  	_ =	swait.ge [sflag:s21], $0x3200  }
0x70: {  	[sflag:s21] =	ssyncset.done $0x0  }
0x71: {  	[sflag:s21] =	ssyncadd.s32 $0xFFFFCE00;
	s21 =	simm.s32 $0x900  }
0x72: {  	[tilespmem:s20], [sflag:$0x2] =	stream.indirect.gather [hbm4b:s2+s16], $0x80, s21, s16, $0xb8;
	v63 =	vld [tilespmem:$0x0]  }
0x73: {  	s25 =	simm.s32 $0x8;
	s21 =	simm.s32 $0x980  }
0x74: {  	[tilespmem:s0], [sflag:$0x2] =	stream.indirect.gather [hbm4b:s2+s16], $0x80, s21, s16, $0xb8;
	v63 =	vld [tilespmem:$0x0]  }
0x75: {  	_ =	swait.ge [sflag:s25], $0x3200  }
0x76: {  	[sflag:s25] =	ssyncset.done $0x0  }
0x77: {  	s21 =	sadd.s32 $0xFFFFD600, s1;
	[sflag:s25] =	ssyncadd.s32 $0xFFFFCE00  }
0x78: {  	[hbm4b:s21+s3] =	stream.linear.scatter [tilespmem:s14], [sflag:$0x10], $0x1900, $0x38;
	v63 =	vld [tilespmem:$0x0]  }
0x79: {  	s25 =	simm.s32 $0xB;
	s21 =	sadd.s32 $0xFFFFD980, s1  }
0x7a: {  	[hbm4b:s21+s3] =	stream.linear.scatter [tilespmem:s19], [sflag:$0x10], $0x1900, $0x38;
	v63 =	vld [tilespmem:$0x0]  }
0x7b: {  	_ =	swait.ge [sflag:s25], $0x3200  }
0x7c: {  	[sflag:s25] =	ssyncset.done $0x0  }
0x7d: {  	s21 =	simm.s32 $0xA00;
	[sflag:s25] =	ssyncadd.s32 $0xFFFFCE00  }
0x7e: {  	[tilespmem:s5], [sflag:$0x3] =	stream.indirect.gather [hbm4b:s2+s16], $0x80, s21, s16, $0xb8;
	v63 =	vld [tilespmem:$0x0]  }
0x7f: {  	s21 =	simm.s32 $0xA80  }
0x80: {  	[tilespmem:s13], [sflag:$0x3] =	stream.indirect.gather [hbm4b:s2+s16], $0x80, s21, s16, $0xb8;
	v63 =	vld [tilespmem:$0x0]  }
0x81: {  	_ =	swait.ge [sflag:s18], $0x3200  }
0x82: {  	[sflag:s18] =	ssyncset.done $0x0  }
0x83: {  	s21 =	sadd.s32 $0xFFFFDD00, s1;
	[sflag:s18] =	ssyncadd.s32 $0xFFFFCE00  }
0x84: {  	[hbm4b:s21+s3] =	stream.linear.scatter [tilespmem:s22], [sflag:$0x9], $0x1900, $0x38;
	v63 =	vld [tilespmem:$0x0]  }
0x85: {  	s22 =	sadd.s32 $0xFFFFE080, s1  }
0x86: {  	[hbm4b:s22+s3] =	stream.linear.scatter [tilespmem:s26], [sflag:$0x9], $0x1900, $0x38;
	v63 =	vld [tilespmem:$0x0]  }
0x87: {  	s26 =	simm.s32 $0xC  }
0x88: {  	_ =	swait.ge [sflag:s26], $0x3200  }
0x89: {  	[sflag:s26] =	ssyncset.done $0x0  }
0x8a: {  	s18 =	simm.s32 $0xB00;
	[sflag:s26] =	ssyncadd.s32 $0xFFFFCE00  }
0x8b: {  	[tilespmem:s6], [sflag:$0x4] =	stream.indirect.gather [hbm4b:s2+s16], $0x80, s18, s16, $0xb8;
	v63 =	vld [tilespmem:$0x0]  }
0x8c: {  	s21 =	simm.s32 $0xB80  }
0x8d: {  	[tilespmem:s7], [sflag:$0x4] =	stream.indirect.gather [hbm4b:s2+s16], $0x80, s21, s16, $0xb8;
	v63 =	vld [tilespmem:$0x0]  }
0x8e: {  	_ =	swait.ge [sflag:s29], $0x3200  }
0x8f: {  	[sflag:s29] =	ssyncset.done $0x0  }
0x90: {  	s22 =	sadd.s32 $0xFFFFE400, s1;
	[sflag:s29] =	ssyncadd.s32 $0xFFFFCE00  }
0x91: {  	[hbm4b:s22+s3] =	stream.linear.scatter [tilespmem:s20], [sflag:$0xA], $0x1900, $0x38;
	v63 =	vld [tilespmem:$0x0]  }
0x92: {  	s26 =	sadd.s32 $0xFFFFE780, s1;
	s18 =	simm.s32 $0xD  }
0x93: {  	[hbm4b:s26+s3] =	stream.linear.scatter [tilespmem:s0], [sflag:$0xA], $0x1900, $0x38;
	v63 =	vld [tilespmem:$0x0]  }
0x94: {  	_ =	swait.ge [sflag:s18], $0x3200  }
0x95: {  	[sflag:s18] =	ssyncset.done $0x0  }
0x96: {  	s20 =	simm.s32 $0xC00;
	[sflag:s18] =	ssyncadd.s32 $0xFFFFCE00  }
0x97: {  	[tilespmem:s28], [sflag:$0x5] =	stream.indirect.gather [hbm4b:s2+s16], $0x80, s20, s16, $0xb8;
	v63 =	vld [tilespmem:$0x0]  }
0x98: {  	s21 =	simm.s32 $0xC80  }
0x99: {  	[tilespmem:s15], [sflag:$0x5] =	stream.indirect.gather [hbm4b:s2+s16], $0x80, s21, s16, $0xb8;
	v63 =	vld [tilespmem:$0x0]  }
0x9a: {  	_ =	swait.ge [sflag:s24], $0x3200  }
0x9b: {  	[sflag:s24] =	ssyncset.done $0x0  }
0x9c: {  	s22 =	sadd.s32 $0xFFFFEB00, s1;
	[sflag:s24] =	ssyncadd.s32 $0xFFFFCE00  }
0x9d: {  	[hbm4b:s22+s3] =	stream.linear.scatter [tilespmem:s5], [sflag:$0xB], $0x1900, $0x38;
	v63 =	vld [tilespmem:$0x0]  }
0x9e: {  	s26 =	simm.s32 $0xE;
	s24 =	sadd.s32 $0xFFFFEE80, s1  }
0x9f: {  	[hbm4b:s24+s3] =	stream.linear.scatter [tilespmem:s13], [sflag:$0xB], $0x1900, $0x38;
	v63 =	vld [tilespmem:$0x0]  }
0xa0: {  	_ =	swait.ge [sflag:s26], $0x3200  }
0xa1: {  	[sflag:s26] =	ssyncset.done $0x0  }
0xa2: {  	s0 =	simm.s32 $0xD00;
	[sflag:s26] =	ssyncadd.s32 $0xFFFFCE00  }
0xa3: {  	[tilespmem:s8], [sflag:$0x6] =	stream.indirect.gather [hbm4b:s2+s16], $0x80, s0, s16, $0xb8;
	v63 =	vld [tilespmem:$0x0]  }
0xa4: {  	s5 =	simm.s32 $0xD80  }
0xa5: {  	[tilespmem:s10], [sflag:$0x6] =	stream.indirect.gather [hbm4b:s2+s16], $0x80, s5, s16, $0xb8;
	v63 =	vld [tilespmem:$0x0]  }
0xa6: {  	_ =	swait.ge [sflag:s9], $0x3200  }
0xa7: {  	[sflag:s9] =	ssyncset.done $0x0  }
0xa8: {  	[sflag:s9] =	ssyncadd.s32 $0xFFFFCE00;
	s9 =	sadd.s32 $0xFFFFF200, s1  }
0xa9: {  	[hbm4b:s9+s3] =	stream.linear.scatter [tilespmem:s6], [sflag:$0xC], $0x1900, $0x38;
	v63 =	vld [tilespmem:$0x0]  }
0xaa: {  	s13 =	simm.s32 $0xF;
	s10 =	sadd.s32 $0xFFFFF580, s1  }
0xab: {  	[hbm4b:s10+s3] =	stream.linear.scatter [tilespmem:s7], [sflag:$0xC], $0x1900, $0x38;
	v63 =	vld [tilespmem:$0x0]  }
0xac: {  	_ =	swait.ge [sflag:s13], $0x3200  }
0xad: {  	[sflag:s13] =	ssyncset.done $0x0  }
0xae: {  	s18 =	simm.s32 $0xE00;
	[sflag:s13] =	ssyncadd.s32 $0xFFFFCE00  }
0xaf: {  	[tilespmem:s11], [sflag:$0x7] =	stream.indirect.gather [hbm4b:s2+s16], $0x80, s18, s16, $0xb8;
	v63 =	vld [tilespmem:$0x0]  }
0xb0: {  	s20 =	simm.s32 $0xE80  }
0xb1: {  	[tilespmem:s4], [sflag:$0x7] =	stream.indirect.gather [hbm4b:s2+s16], $0x80, s20, s16, $0xb8;
	v63 =	vld [tilespmem:$0x0]  }
0xb2: {  	_ =	swait.ge [sflag:s12], $0x3200  }
0xb3: {  	[sflag:s12] =	ssyncset.done $0x0  }
0xb4: {  	s21 =	sadd.s32 $0xFFFFF900, s1;
	[sflag:s12] =	ssyncadd.s32 $0xFFFFCE00  }
0xb5: {  	[hbm4b:s21+s3] =	stream.linear.scatter [tilespmem:s28], [sflag:$0xD], $0x1900, $0x38;
	v63 =	vld [tilespmem:$0x0]  }
0xb6: {  	s31 =	sadd.s32 $0x380, s1;
	s22 =	sadd.s32 $0xFFFFFC80, s1  }
0xb7: {  	[hbm4b:s22+s3] =	stream.linear.scatter [tilespmem:s15], [sflag:$0xD], $0x1900, $0x38;
	v63 =	vld [tilespmem:$0x0]  }
0xb8: {  	s25 =	simm.s32 $0x2000;
	s29 =	simm.s32 $0x12000;
	_ =	swait.ge [sflag:s23], $0x3200  }
0xb9: {  	s24 =	simm.s32 $0xF00;
	s26 =	simm.s32 $0xF80;
	[sflag:s23] =	ssyncset.done $0x0  }
0xba: {  	s0 =	simm.s32 $0x9400;
	s5 =	simm.s32 $0xB000;
	[sflag:s23] =	ssyncadd.s32 $0xFFFFCE00  }
0xbb: {  	[tilespmem:s14], [sflag:$0x8] =	stream.indirect.gather [hbm4b:s2+s16], $0x80, s24, s16, $0xb8;
	v63 =	vld [tilespmem:$0x0]  }
0xbc: {  	s6 =	simm.s32 $0xE800;
	s9 =	simm.s32 $0x4;
	s7 =	simm.s32 $0x10400  }
0xbd: {  	[tilespmem:s19], [sflag:$0x8] =	stream.indirect.gather [hbm4b:s2+s16], $0x80, s26, s16, $0xb8;
	v63 =	vld [tilespmem:$0x0]  }
0xbe: {  	s13 =	simm.s32 $0xCC00;
	s18 =	simm.s32 $0x1;
	_ =	swait.ge [sflag:s17], $0x3200  }
0xbf: {  	s20 =	simm.s32 $0x7800;
	s28 =	sadd.s32 $0x3800, s1;
	[sflag:s17] =	ssyncset.done $0x0  }
0xc0: {  	s22 =	simm.s32 $0x4000;
	s15 =	simm.s32 $0x13C00;
	[sflag:s17] =	ssyncadd.s32 $0xFFFFCE00  }
0xc1: {  	[hbm4b:s1+s3] =	stream.linear.scatter [tilespmem:s8], [sflag:$0xE], $0x1900, $0x38;
	v63 =	vld [tilespmem:$0x0]  }
0xc2: {  	s24 =	simm.s32 $0x3;
	s26 =	simm.s32 $0x5C00;
	s8 =	simm.s32 $0x15800  }
.LBB2_2:
0xc3: {  	s10 =	simm.s32 $0x17400  }
0xc4: {  	[hbm4b:s31+s3] =	stream.linear.scatter [tilespmem:s10], [sflag:$0xE], $0x1900, $0x38;
	v63 =	vld [tilespmem:$0x0]  }
0xc5: {  	s1 =	simm.s32 $0x9;
	s31 =	smov.u32 s25  }
0xc6: {  	p0 =	sne.s32 s25, $0xC000;
	s25 =	sadd.s32 $0x2000, s25;
	_ =	swait.ge [sflag:s1], $0x3200  }
0xc7: {  	s31 =	sshra.s32 s31, $0x2;
	[sflag:s1] =	ssyncset.done $0x0  }
0xc8: {  	[sflag:s1] =	ssyncadd.s32 $0xFFFFCE00;
	s1 =	sadd.s32 $0x800, s31  }
0xc9: {  	[tilespmem:s22], [sflag:$0x1] =	stream.indirect.gather [hbm4b:s2+s16], $0x80, s1, s16, $0xb8;
	v63 =	vld [tilespmem:$0x0]  }
0xca: {  	s1 =	sadd.s32 $0x880, s31  }
0xcb: {  	[tilespmem:s26], [sflag:$0x1] =	stream.indirect.gather [hbm4b:s2+s16], $0x80, s1, s16, $0xb8;
	v63 =	vld [tilespmem:$0x0]  }
0xcc: {  	s1 =	simm.s32 $0x7  }
0xcd: {  	_ =	swait.ge [sflag:s1], $0x3200  }
0xce: {  	[sflag:s1] =	ssyncset.done $0x0  }
0xcf: {  	s12 =	simm.s32 $0x19000;
	[sflag:s1] =	ssyncadd.s32 $0xFFFFCE00;
	s1 =	sadd.s32 $0xFFFFCF00, s28  }
0xd0: {  	[hbm4b:s1+s3] =	stream.linear.scatter [tilespmem:s12], [sflag:$0xF], $0x1900, $0x38;
	v63 =	vld [tilespmem:$0x0]  }
0xd1: {  	s4 =	simm.s32 $0x1AC00;
	s1 =	sadd.s32 $0xFFFFD280, s28  }
0xd2: {  	[hbm4b:s1+s3] =	stream.linear.scatter [tilespmem:s4], [sflag:$0xF], $0x1900, $0x38;
	v63 =	vld [tilespmem:$0x0]  }
0xd3: {  	s1 =	simm.s32 $0xA  }
0xd4: {  	_ =	swait.ge [sflag:s1], $0x3200  }
0xd5: {  	[sflag:s1] =	ssyncset.done $0x0  }
0xd6: {  	[sflag:s1] =	ssyncadd.s32 $0xFFFFCE00;
	s1 =	sadd.s32 $0x900, s31  }
0xd7: {  	[tilespmem:s20], [sflag:$0x2] =	stream.indirect.gather [hbm4b:s2+s16], $0x80, s1, s16, $0xb8;
	v63 =	vld [tilespmem:$0x0]  }
0xd8: {  	s1 =	sadd.s32 $0x980, s31  }
0xd9: {  	[tilespmem:s0], [sflag:$0x2] =	stream.indirect.gather [hbm4b:s2+s16], $0x80, s1, s16, $0xb8;
	v63 =	vld [tilespmem:$0x0]  }
0xda: {  	s1 =	simm.s32 $0x8  }
0xdb: {  	_ =	swait.ge [sflag:s1], $0x3200  }
0xdc: {  	[sflag:s1] =	ssyncset.done $0x0  }
0xdd: {  	s17 =	simm.s32 $0x1C800;
	[sflag:s1] =	ssyncadd.s32 $0xFFFFCE00;
	s1 =	sadd.s32 $0xFFFFD600, s28  }
0xde: {  	[hbm4b:s1+s3] =	stream.linear.scatter [tilespmem:s17], [sflag:$0x10], $0x1900, $0x38;
	v63 =	vld [tilespmem:$0x0]  }
0xdf: {  	s19 =	simm.s32 $0x1E400;
	s1 =	sadd.s32 $0xFFFFD980, s28  }
0xe0: {  	[hbm4b:s1+s3] =	stream.linear.scatter [tilespmem:s19], [sflag:$0x10], $0x1900, $0x38;
	v63 =	vld [tilespmem:$0x0]  }
0xe1: {  	s1 =	simm.s32 $0xB  }
0xe2: {  	_ =	swait.ge [sflag:s1], $0x3200  }
0xe3: {  	[sflag:s1] =	ssyncset.done $0x0  }
0xe4: {  	[sflag:s1] =	ssyncadd.s32 $0xFFFFCE00;
	s1 =	sadd.s32 $0xA00, s31  }
0xe5: {  	[tilespmem:s5], [sflag:$0x3] =	stream.indirect.gather [hbm4b:s2+s16], $0x80, s1, s16, $0xb8;
	v63 =	vld [tilespmem:$0x0]  }
0xe6: {  	s1 =	sadd.s32 $0xA80, s31  }
0xe7: {  	[tilespmem:s13], [sflag:$0x3] =	stream.indirect.gather [hbm4b:s2+s16], $0x80, s1, s16, $0xb8;
	v63 =	vld [tilespmem:$0x0]  }
0xe8: {  	_ =	swait.ge [sflag:s18], $0x3200  }
0xe9: {  	[sflag:s18] =	ssyncset.done $0x0  }
0xea: {  	s1 =	sadd.s32 $0xFFFFDD00, s28;
	[sflag:s18] =	ssyncadd.s32 $0xFFFFCE00  }
0xeb: {  	[hbm4b:s1+s3] =	stream.linear.scatter [tilespmem:s22], [sflag:$0x9], $0x1900, $0x38;
	v63 =	vld [tilespmem:$0x0]  }
0xec: {  	s1 =	sadd.s32 $0xFFFFE080, s28  }
0xed: {  	[hbm4b:s1+s3] =	stream.linear.scatter [tilespmem:s26], [sflag:$0x9], $0x1900, $0x38;
	v63 =	vld [tilespmem:$0x0]  }
0xee: {  	s1 =	simm.s32 $0xC  }
0xef: {  	_ =	swait.ge [sflag:s1], $0x3200  }
0xf0: {  	[sflag:s1] =	ssyncset.done $0x0  }
0xf1: {  	[sflag:s1] =	ssyncadd.s32 $0xFFFFCE00;
	s1 =	sadd.s32 $0xB00, s31  }
0xf2: {  	[tilespmem:s6], [sflag:$0x4] =	stream.indirect.gather [hbm4b:s2+s16], $0x80, s1, s16, $0xb8;
	v63 =	vld [tilespmem:$0x0]  }
0xf3: {  	s1 =	sadd.s32 $0xB80, s31  }
0xf4: {  	[tilespmem:s7], [sflag:$0x4] =	stream.indirect.gather [hbm4b:s2+s16], $0x80, s1, s16, $0xb8;
	v63 =	vld [tilespmem:$0x0]  }
0xf5: {  	_ =	swait.ge [sflag:s30], $0x3200  }
0xf6: {  	[sflag:s30] =	ssyncset.done $0x0  }
0xf7: {  	s1 =	sadd.s32 $0xFFFFE400, s28;
	[sflag:s30] =	ssyncadd.s32 $0xFFFFCE00  }
0xf8: {  	[hbm4b:s1+s3] =	stream.linear.scatter [tilespmem:s20], [sflag:$0xA], $0x1900, $0x38;
	v63 =	vld [tilespmem:$0x0]  }
0xf9: {  	s1 =	sadd.s32 $0xFFFFE780, s28  }
0xfa: {  	[hbm4b:s1+s3] =	stream.linear.scatter [tilespmem:s0], [sflag:$0xA], $0x1900, $0x38;
	v63 =	vld [tilespmem:$0x0]  }
0xfb: {  	s1 =	simm.s32 $0xD  }
0xfc: {  	_ =	swait.ge [sflag:s1], $0x3200  }
0xfd: {  	[sflag:s1] =	ssyncset.done $0x0  }
0xfe: {  	[sflag:s1] =	ssyncadd.s32 $0xFFFFCE00;
	s1 =	sadd.s32 $0xC00, s31  }
0xff: {  	[tilespmem:s29], [sflag:$0x5] =	stream.indirect.gather [hbm4b:s2+s16], $0x80, s1, s16, $0xb8;
	v63 =	vld [tilespmem:$0x0]  }
0x100: {  	s1 =	sadd.s32 $0xC80, s31  }
0x101: {  	[tilespmem:s15], [sflag:$0x5] =	stream.indirect.gather [hbm4b:s2+s16], $0x80, s1, s16, $0xb8;
	v63 =	vld [tilespmem:$0x0]  }
0x102: {  	_ =	swait.ge [sflag:s24], $0x3200  }
0x103: {  	[sflag:s24] =	ssyncset.done $0x0  }
0x104: {  	s1 =	sadd.s32 $0xFFFFEB00, s28;
	[sflag:s24] =	ssyncadd.s32 $0xFFFFCE00  }
0x105: {  	[hbm4b:s1+s3] =	stream.linear.scatter [tilespmem:s5], [sflag:$0xB], $0x1900, $0x38;
	v63 =	vld [tilespmem:$0x0]  }
0x106: {  	s1 =	sadd.s32 $0xFFFFEE80, s28  }
0x107: {  	[hbm4b:s1+s3] =	stream.linear.scatter [tilespmem:s13], [sflag:$0xB], $0x1900, $0x38;
	v63 =	vld [tilespmem:$0x0]  }
0x108: {  	s1 =	simm.s32 $0xE  }
0x109: {  	_ =	swait.ge [sflag:s1], $0x3200  }
0x10a: {  	[sflag:s1] =	ssyncset.done $0x0  }
0x10b: {  	[sflag:s1] =	ssyncadd.s32 $0xFFFFCE00;
	s1 =	sadd.s32 $0xD00, s31  }
0x10c: {  	[tilespmem:s8], [sflag:$0x6] =	stream.indirect.gather [hbm4b:s2+s16], $0x80, s1, s16, $0xb8;
	v63 =	vld [tilespmem:$0x0]  }
0x10d: {  	s11 =	simm.s32 $0x17400;
	s1 =	sadd.s32 $0xD80, s31  }
0x10e: {  	[tilespmem:s10], [sflag:$0x6] =	stream.indirect.gather [hbm4b:s2+s16], $0x80, s1, s16, $0xb8;
	v63 =	vld [tilespmem:$0x0]  }
0x10f: {  	_ =	swait.ge [sflag:s9], $0x3200  }
0x110: {  	[sflag:s9] =	ssyncset.done $0x0  }
0x111: {  	s1 =	sadd.s32 $0xFFFFF200, s28;
	[sflag:s9] =	ssyncadd.s32 $0xFFFFCE00  }
0x112: {  	[hbm4b:s1+s3] =	stream.linear.scatter [tilespmem:s6], [sflag:$0xC], $0x1900, $0x38;
	v63 =	vld [tilespmem:$0x0]  }
0x113: {  	s1 =	sadd.s32 $0xFFFFF580, s28  }
0x114: {  	[hbm4b:s1+s3] =	stream.linear.scatter [tilespmem:s7], [sflag:$0xC], $0x1900, $0x38;
	v63 =	vld [tilespmem:$0x0]  }
0x115: {  	s1 =	simm.s32 $0xF  }
0x116: {  	_ =	swait.ge [sflag:s1], $0x3200  }
0x117: {  	[sflag:s1] =	ssyncset.done $0x0  }
0x118: {  	[sflag:s1] =	ssyncadd.s32 $0xFFFFCE00;
	s1 =	sadd.s32 $0xE00, s31  }
0x119: {  	[tilespmem:s12], [sflag:$0x7] =	stream.indirect.gather [hbm4b:s2+s16], $0x80, s1, s16, $0xb8;
	v63 =	vld [tilespmem:$0x0]  }
0x11a: {  	s10 =	simm.s32 $0x19000;
	s12 =	simm.s32 $0x5  }
0x11b: {  	s14 =	simm.s32 $0x1AC00;
	s1 =	sadd.s32 $0xE80, s31  }
0x11c: {  	[tilespmem:s4], [sflag:$0x7] =	stream.indirect.gather [hbm4b:s2+s16], $0x80, s1, s16, $0xb8;
	v63 =	vld [tilespmem:$0x0]  }
0x11d: {  	_ =	swait.ge [sflag:s12], $0x3200  }
0x11e: {  	[sflag:s12] =	ssyncset.done $0x0  }
0x11f: {  	s1 =	sadd.s32 $0xFFFFF900, s28;
	[sflag:s12] =	ssyncadd.s32 $0xFFFFCE00  }
0x120: {  	[hbm4b:s1+s3] =	stream.linear.scatter [tilespmem:s29], [sflag:$0xD], $0x1900, $0x38;
	v63 =	vld [tilespmem:$0x0]  }
0x121: {  	s1 =	sadd.s32 $0xFFFFFC80, s28  }
0x122: {  	[hbm4b:s1+s3] =	stream.linear.scatter [tilespmem:s15], [sflag:$0xD], $0x1900, $0x38;
	v63 =	vld [tilespmem:$0x0]  }
0x123: {  	_ =	swait.ge [sflag:s23], $0x3200  }
0x124: {  	[sflag:s23] =	ssyncset.done $0x0  }
0x125: {  	s1 =	sadd.s32 $0xF00, s31;
	[sflag:s23] =	ssyncadd.s32 $0xFFFFCE00  }
0x126: {  	[tilespmem:s17], [sflag:$0x8] =	stream.indirect.gather [hbm4b:s2+s16], $0x80, s1, s16, $0xb8;
	v63 =	vld [tilespmem:$0x0]  }
0x127: {  	s4 =	simm.s32 $0x1C800;
	s17 =	simm.s32 $0x6  }
0x128: {  	s21 =	simm.s32 $0x1E400;
	s1 =	sadd.s32 $0xF80, s31  }
0x129: {  	[tilespmem:s19], [sflag:$0x8] =	stream.indirect.gather [hbm4b:s2+s16], $0x80, s1, s16, $0xb8;
	v63 =	vld [tilespmem:$0x0]  }
.Ltmp0:
0x12a: {  	_ =	swait.ge [sflag:s17], $0x3200;
	(pc) =	sbr.rel @p0 .LBB2_2-.Ltmp0, $4  }
0x12b: {  	[sflag:s17] =	ssyncset.done $0x0  }
0x12c: {  	[sflag:s17] =	ssyncadd.s32 $0xFFFFCE00  }
0x12d: {  	[hbm4b:s28+s3] =	stream.linear.scatter [tilespmem:s8], [sflag:$0xE], $0x1900, $0x38;
	v63 =	vld [tilespmem:$0x0]  }
0x12e: {  	s31 =	sadd.s32 $0x380, s28;
	s28 =	sadd.s32 $0x3800, s28  }
0x12f: {  	[hbm4b:s31+s3] =	stream.linear.scatter [tilespmem:s11], [sflag:$0xE], $0x1900, $0x38;
	v63 =	vld [tilespmem:$0x0]  }
0x130: {  	s0 =	simm.s32 $0x7  }
0x131: {  	_ =	swait.ge [sflag:s0], $0x3200  }
0x132: {  	[sflag:s0] =	ssyncset.done $0x0  }
0x133: {  	s1 =	rddreg [dreg:$0xb];
	[sflag:s0] =	ssyncadd.s32 $0xFFFFCE00  }
0x134: {  	[hbm4b:s1+s3] =	stream.linear.scatter [tilespmem:s10], [sflag:$0xF], $0x1900, $0x38;
	v63 =	vld [tilespmem:$0x0]  }
0x135: {  	s1 =	sadd.s32 $0x380, s1  }
0x136: {  	[hbm4b:s1+s3] =	stream.linear.scatter [tilespmem:s14], [sflag:$0xF], $0x1900, $0x38;
	v63 =	vld [tilespmem:$0x0]  }
0x137: {  	s14 =	simm.s32 $0x8  }
0x138: {  	_ =	swait.ge [sflag:s14], $0x3200  }
0x139: {  	[sflag:s14] =	ssyncset.done $0x0  }
0x13a: {  	s15 =	rddreg [dreg:$0xc];
	[sflag:s14] =	ssyncadd.s32 $0xFFFFCE00  }
0x13b: {  	[hbm4b:s15+s3] =	stream.linear.scatter [tilespmem:s4], [sflag:$0x10], $0x1900, $0x38;
	v63 =	vld [tilespmem:$0x0]  }
0x13c: {  	s18 =	simm.s32 $0x9;
	s1 =	sadd.s32 $0x380, s15  }
0x13d: {  	[hbm4b:s1+s3] =	stream.linear.scatter [tilespmem:s21], [sflag:$0x10], $0x1900, $0x38;
	v63 =	vld [tilespmem:$0x0]  }
0x13e: {  	_ =	swait.ge [sflag:s18], $0x3200  }
0x13f: {  	[sflag:s18] =	ssyncset.done $0x0  }
0x140: {  	s19 =	simm.s32 $0xA;
	[sflag:s18] =	ssyncadd.s32 $0xFFFFCE00  }
0x141: {  	_ =	swait.ge [sflag:s19], $0x3200  }
0x142: {  	[sflag:s19] =	ssyncset.done $0x0  }
0x143: {  	s20 =	simm.s32 $0xB;
	[sflag:s19] =	ssyncadd.s32 $0xFFFFCE00  }
0x144: {  	_ =	swait.ge [sflag:s20], $0x3200  }
0x145: {  	[sflag:s20] =	ssyncset.done $0x0  }
0x146: {  	s21 =	simm.s32 $0xC;
	[sflag:s20] =	ssyncadd.s32 $0xFFFFCE00  }
0x147: {  	_ =	swait.ge [sflag:s21], $0x3200  }
0x148: {  	[sflag:s21] =	ssyncset.done $0x0  }
0x149: {  	s22 =	simm.s32 $0xD;
	[sflag:s21] =	ssyncadd.s32 $0xFFFFCE00  }
0x14a: {  	_ =	swait.ge [sflag:s22], $0x3200  }
0x14b: {  	[sflag:s22] =	ssyncset.done $0x0  }
0x14c: {  	s24 =	simm.s32 $0xE;
	[sflag:s22] =	ssyncadd.s32 $0xFFFFCE00  }
0x14d: {  	_ =	swait.ge [sflag:s24], $0x3200  }
0x14e: {  	[sflag:s24] =	ssyncset.done $0x0  }
0x14f: {  	s25 =	simm.s32 $0xF;
	[sflag:s24] =	ssyncadd.s32 $0xFFFFCE00  }
0x150: {  	_ =	swait.ge [sflag:s25], $0x3200  }
0x151: {  	[sflag:s25] =	ssyncset.done $0x0  }
0x152: {  	[sflag:s25] =	ssyncadd.s32 $0xFFFFCE00  }
0x153: {  	_ =	swait.ge [sflag:s23], $0x3200  }
0x154: {  	s26 =	rddreg [dreg:$0xf]  }
0x155: {  	s5 =	simm.s32 $0xB000;
	s31 =	rddreg [dreg:$0xd];
	s4 =	sadd.s32 $0x1, s26  }
0x156: {  	s13 =	simm.s32 $0xCC00;
	s6 =	simm.s32 $0xE800;
	p0 =	sne.s32 s4, s31  }
.Ltmp1:
0x157: {  	s7 =	simm.s32 $0x10400;
	s28 =	simm.s32 $0x12000;
	(pc) =	sbr.rel @p0 .LBB2_1-.Ltmp1, $4  }
0x158: {  	s29 =	simm.s32 $0x2;
	s8 =	simm.s32 $0x15800;
	s9 =	simm.s32 $0x4  }
0x159: {  	s0 =	simm.s32 $0x9400;
	s15 =	simm.s32 $0x13C00;
	s18 =	simm.s32 $0x1  }
0x15a: {  	s20 =	simm.s32 $0x7800;
	s22 =	simm.s32 $0x4000;
	[sflag:s23] =	ssyncset.done $0x0  }
0x15b: {  	s24 =	simm.s32 $0x3;
	[sflag:s23] =	ssyncadd.s32 $0xFFFFCE00;
	s26 =	simm.s32 $0x5C00  }
0x15c: {  	_ =	sfence.sel $0x180000  }
0x15d: {  	[bflag:$0x0] =	sbarrier.arrive $0xFFFF  }
0x15e: {  	_ =	strace $0x90000047  }
0x15f: {  	s0 =	stileid.u32;
	[bflag:$0x2] =	sbarrier.arrive $0xFFFF  }
0x160: {  	p0 =	sne.s32 s0, $0x0;
	s0 =	rddreg [dreg:$0x3]  }
0x161: {  	s0 =	sadd.s32 @!p0 $0x100000, s0  }
0x162: {  	[sflag:s0] =	ssyncadd.tile.s32 @!p0 $0x1;
	_ =	shalt  }
.Lfunc_end2:
_tile_overlayer_lowered:
.L_overlay_start_2:
0x163: {  	(tag) =	ssettag $0x2  }
0x164: {  	s0 =	rddreg [dreg:$0x0];
	s2 =	stileid.u32  }
0x165: {  	s1 =	rddreg [dreg:$0x1];
	p0 =	sne.s32 s2, $0x0  }
0x166: {  	s3 =	rddreg [dreg:$0x2];
	[bflag:$0x3] =	sbarrier.arrive $0xFFFF;
	s2 =	simm.s32 @!p0 $0x1C11  }
0x167: {  	[timem:s3], [sflag:s2] =	dma.local @!p0 [hbm:s0], s1  }
0x168: {  	s0 =	simm.s32 @!p0 $0x11  }
0x169: {  	_ =	swait.ge @!p0 [sflag:s0], s1  }
0x16a: {  	s1 =	ssub.s32 @!p0 $0x0, s1;
	[sflag:s0] =	ssyncset.done @!p0 $0x0  }
0x16b: {  	[sflag:s0] =	ssyncadd.s32 @!p0 s1  }
0x16c: {  	[bflag:$0x3] =	sbarrier.arrive $0xFFFF  }
0x16d: {  	_ =	shalt  }

</sc_bundles>
